<compile_context>
chip_gen: v7x
topology: tpu7x:2x2x1
jax: 0.10.2.dev20260603
libtpu: 0.0.44.dev20260713+nightly
codegen_flags: <defaults>
</compile_context>

<pallas_src>
import jax
import jax.numpy as jnp
from jax.experimental import pallas as pl
from jax.experimental.pallas import tpu as pltpu
from jax.experimental.pallas import tpu_sc as plsc

_R = 16
_RR = _R * _R
_SC_CHUNK = 64


def _hp_kernel(dn_ref, h_s_ref, basis_ref, hp_ref):
    zm = h_s_ref[...] * basis_ref[...]
    dn = dn_ref[...]
    b = zm.shape[0]
    lanes = jax.lax.broadcasted_iota(jnp.int32, (b, _RR), 1)
    rep = jnp.take_along_axis(zm, lanes // _R, axis=1)
    tile = jnp.take_along_axis(zm, lanes % _R, axis=1)
    outer = rep * tile
    hp_ref[:, 0, :] = outer * dn[:, 0:1]
    hp_ref[:, 1, :] = outer * dn[:, 1:2]
    hp_ref[:, 2, :] = outer * dn[:, 2:3]


def _sc_hs_call(dn, h_s, basis):
    e, r = h_s.shape
    mesh = plsc.VectorSubcoreMesh(core_axis_name="c", subcore_axis_name="s")

    @pl.kernel(
        out_type=jax.ShapeDtypeStruct((e, r + r * r), h_s.dtype), mesh=mesh
    )
    def _sc_hs(dn_hbm, hs_hbm, ba_hbm, o_hbm):
        def body(dn_v, hs_v, ba_v, o_v):
            @pl.loop(0, _SC_CHUNK)
            def _(ei):
                row = (pl.ds(ei, 1), pl.ds(0, _R))
                zm = hs_v.at[row][...] * ba_v.at[row][...]
                o_v.at[row][...] = zm
                dvec = dn_v[pl.ds(ei, 1), pl.ds(0, 3)]
                nsq = (dvec[0, 0] * dvec[0, 0]
                       + dvec[0, 1] * dvec[0, 1]
                       + dvec[0, 2] * dvec[0, 2])
                q = zm * nsq

                for rr in range(_R):
                    o_v.at[(pl.ds(ei, 1), pl.ds(_R + rr * _R, _R))][...] = (
                        zm * q[0, rr]
                    )

        pltpu.emit_pipeline(
            body,
            grid=(e // _SC_CHUNK,),
            in_specs=[
                pl.BlockSpec((_SC_CHUNK, 3), lambda i: (i, 0)),
                pl.BlockSpec((_SC_CHUNK, r), lambda i: (i, 0)),
                pl.BlockSpec((_SC_CHUNK, r), lambda i: (i, 0)),
            ],
            out_specs=[
                pl.BlockSpec((_SC_CHUNK, r + r * r), lambda i: (i, 0)),
            ],
            core_axis_name=("c", "s"),
            dimension_semantics=(pltpu.PARALLEL,),
        )(dn_hbm, hs_hbm, ba_hbm, o_hbm)

    return _sc_hs(dn, h_s, basis)


def kernel(dn, h_s, basis, idx_i):
    del idx_i
    e, r = h_s.shape
    block = 2000
    grid = e // block
    hp = pl.pallas_call(
        _hp_kernel,
        grid=(grid,),
        in_specs=[
            pl.BlockSpec((block, 3), lambda i: (i, 0)),
            pl.BlockSpec((block, r), lambda i: (i, 0)),
            pl.BlockSpec((block, r), lambda i: (i, 0)),
        ],
        out_specs=pl.BlockSpec((block, 3, r * r), lambda i: (i, 0, 0)),
        out_shape=jax.ShapeDtypeStruct((e, 3, r * r), dn.dtype),
        compiler_params=pltpu.CompilerParams(
            dimension_semantics=("parallel",),
        ),
    )(dn, h_s, basis)
    hs_out = _sc_hs_call(dn, h_s, basis)
    return hs_out, hp

# --- scband reference (transcript-rebuilt; emitter-appended) ---
"""Pipeline reference for scband-first-interaction-69776038691501 (READ-ONLY COPY).

The authoritative reference and input builder live on the scoring server;
editing this copy changes nothing except your own understanding.
"""

import jax, jax.numpy as jnp
import numpy as np

E = 160000
R = 16
N_ATOMS_TRUE = 10000


def setup_inputs(seed: int = 0) -> dict:
    key = jax.random.key(seed)
    k1, k2, k3, k4 = jax.random.split(key, 4)
    dn = jax.random.normal(k1, (E, 3), dtype=jnp.float32)
    h_s = jax.random.normal(k2, (E, R), dtype=jnp.float32)
    basis = jax.random.uniform(k3, (E, R), dtype=jnp.float32)
    idx_i = jnp.sort(jax.random.randint(k4, (E,), 0, N_ATOMS_TRUE)).astype(jnp.int64)
    return {"dn": dn, "h_s": h_s, "basis": basis, "idx_i": idx_i}


def reference(dn, h_s, basis, idx_i):
    # Faithful translation of FirstInteraction.__call__.
    n_atoms = h_s.shape[0]
    # einops.repeat(dn, 'nbrs s -> nbrs 1 s')
    xyz = dn[:, None, :]
    zero_moment = h_s * basis
    # einops.repeat(zero_moment, 'n r -> n r 1') * xyz
    first_moment = zero_moment[:, :, None] * xyz
    # NOTE: in the original, `moments` captures the PRE-segment-sum arrays;
    # the segment_sum results are rebound to the local names but never used
    # downstream. We reproduce that behavior faithfully.
    moments = [zero_moment, first_moment]
    zero_moment_agg = jax.ops.segment_sum(zero_moment, idx_i, n_atoms)
    first_moment_agg = jax.ops.segment_sum(first_moment, idx_i, n_atoms)
    del zero_moment_agg, first_moment_agg  # dead in original forward as well
    h_s0 = moments[0]
    h_s1 = jnp.einsum('ari, asi -> ars', moments[1], moments[1])
    h_s1 = jnp.reshape(h_s1, [n_atoms, -1])
    h_p = jnp.einsum('ar, asi -> airs', moments[0], moments[1])
    h_p = jnp.reshape(h_p, [n_atoms, 3, -1])
    h_s_out = jnp.concatenate([h_s0, h_s1], axis=-1)
    return (h_s_out, h_p)

if __name__ == "__main__":
    import jax
    _d = setup_inputs()
    print(jax.jit(kernel)(*tuple(_d.values())))

</pallas_src>

<mosaic_0001>
#map = affine_map<(d0, d1) -> (0, 0)>
module attributes {stable_mosaic.version = 14 : i64} {
  func.func @_sc_hs(%arg0: i32, %arg1: i32, %arg2: memref<160000x3xf32, #tpu.memory_space<hbm>>, %arg3: memref<160000x16xf32, #tpu.memory_space<hbm>>, %arg4: memref<160000x16xf32, #tpu.memory_space<hbm>>, %arg5: memref<160000x272xf32, #tpu.memory_space<hbm>>) attributes {dimension_semantics = [#tpu.dimension_semantics<core_parallel>, #tpu.dimension_semantics<subcore_parallel>], iteration_bounds = array<i64: 2, 16>, scalar_prefetch = 0 : i64, scratch_operands = 0 : i64, tpu.core_type = #tpu.core_type<sc_vector_subcore>, window_params = [{transform_indices = #map}, {transform_indices = #map}, {transform_indices = #map}, {transform_indices = #map}]} {
    %mul3A = arith.constant 1 : i32
    %mul3A_0 = arith.muli %arg1, %mul3A : i32
    %add3A = arith.constant 0 : i32
    %add3A_1 = arith.addi %add3A, %mul3A_0 : i32
    %mul3A_2 = arith.constant 16 : i32
    %mul3A_3 = arith.muli %arg0, %mul3A_2 : i32
    %add3A_4 = arith.addi %add3A_1, %mul3A_3 : i32
    %lt3A = arith.constant 4 : i32
    %lt3A_5 = arith.cmpi slt, %add3A_4, %lt3A : i32
    %jit3A = arith.constant 79 : i32
    %jit3A_6 = arith.constant 78 : i32
    %select_n3A = arith.select %lt3A_5, %jit3A, %jit3A_6 : i32
    %lt3A_7 = arith.constant 4 : i32
    %lt3A_8 = arith.cmpi slt, %add3A_4, %lt3A_7 : i32
    %mul3A_9 = arith.muli %add3A_4, %select_n3A : i32
    %mul3A_10 = arith.constant 78 : i32
    %mul3A_11 = arith.muli %add3A_4, %mul3A_10 : i32
    %add3A_12 = arith.constant 4 : i32
    %add3A_13 = arith.addi %mul3A_11, %add3A_12 : i32
    %select_n3A_14 = arith.select %lt3A_8, %mul3A_9, %add3A_13 : i32
    %mul3A_15 = arith.constant 1 : i32
    %mul3A_16 = arith.muli %mul3A_15, %select_n3A : i32
    "tpu.region"() ({
      %run_scoped3A = memref.alloca() : memref<2x64x3xf32, #tpu.memory_space<vmem>>
      %run_scoped3A_17 = tpu.sem_alloc : memref<2x!tpu.dma_semaphore, #tpu.memory_space<semaphore_mem>>
      %run_scoped3A_18 = memref.alloca() : memref<2x64x16xf32, #tpu.memory_space<vmem>>
      %run_scoped3A_19 = tpu.sem_alloc : memref<2x!tpu.dma_semaphore, #tpu.memory_space<semaphore_mem>>
      %run_scoped3A_20 = memref.alloca() : memref<2x64x16xf32, #tpu.memory_space<vmem>>
      %run_scoped3A_21 = tpu.sem_alloc : memref<2x!tpu.dma_semaphore, #tpu.memory_space<semaphore_mem>>
      %run_scoped3A_22 = memref.alloca() : memref<2x64x272xf32, #tpu.memory_space<vmem>>
      %run_scoped3A_23 = tpu.sem_alloc : memref<2x!tpu.dma_semaphore, #tpu.memory_space<semaphore_mem>>
      %gt3A = arith.constant 0 : i32
      %gt3A_24 = arith.cmpi sgt, %mul3A_16, %gt3A : i32
      %convert_element_type3A = arith.extui %gt3A_24 : i1 to i32
      %cond3A = arith.constant 0 : i32
      %cond3A_25 = arith.cmpi ne, %convert_element_type3A, %cond3A : i32
      scf.if %cond3A_25 {
        %mul3A_26 = arith.constant 1 : i32
        %mul3A_27 = arith.muli %mul3A_26, %select_n3A : i32
        %sub3A = arith.constant 1 : i32
        %sub3A_28 = arith.subi %mul3A_27, %sub3A : i32
        %eq3A = arith.constant 0 : i32
        %eq3A_29 = arith.cmpi eq, %sub3A_28, %eq3A : i32
        %add3A_30 = arith.constant 0 : i32
        %add3A_31 = arith.addi %add3A_30, %select_n3A_14 : i32
        %select_n3A_32 = arith.constant true
        %select_n3A_33 = arith.constant 0 : i32
        %select_n3A_34 = arith.constant -1 : i32
        %select_n3A_35 = arith.select %select_n3A_32, %select_n3A_34, %select_n3A_33 : i32
        %eq3A_36 = arith.constant -1 : i32
        %eq3A_37 = arith.cmpi eq, %select_n3A_35, %eq3A_36 : i32
        %sub3A_38 = arith.constant 1 : i32
        %sub3A_39 = arith.subi %select_n3A, %sub3A_38 : i32
        %select_n3A_40 = arith.select %eq3A_37, %sub3A_39, %select_n3A_35 : i32
        %add3A_41 = arith.addi %select_n3A_40, %select_n3A_14 : i32
        %select_n3A_42 = arith.constant true
        %select_n3A_43 = arith.constant 0 : i32
        %select_n3A_44 = arith.constant 1 : i32
        %select_n3A_45 = arith.select %select_n3A_42, %select_n3A_44, %select_n3A_43 : i32
        %eq3A_46 = arith.cmpi eq, %select_n3A_45, %select_n3A : i32
        %select_n3A_47 = arith.constant 0 : i32
        %select_n3A_48 = arith.select %eq3A_46, %select_n3A_47, %select_n3A_45 : i32
        %add3A_49 = arith.addi %select_n3A_48, %select_n3A_14 : i32
        %add3A_50 = arith.constant 1 : i32
        %add3A_51 = arith.addi %select_n3A_48, %add3A_50 : i32
        %select_n3A_52 = arith.constant true
        %select_n3A_53 = arith.select %select_n3A_52, %add3A_51, %select_n3A_48 : i32
        %eq3A_54 = arith.cmpi eq, %select_n3A_53, %select_n3A : i32
        %select_n3A_55 = arith.constant 0 : i32
        %select_n3A_56 = arith.select %eq3A_54, %select_n3A_55, %select_n3A_53 : i32
        %add3A_57 = arith.addi %select_n3A_56, %select_n3A_14 : i32
        "tpu.trace_start"() <{level = 10 : i32, message = "ep_initialize_0"}> : () -> ()
        %rem3A = arith.constant 0 : i32
        %rem3A_58 = arith.constant 2 : i32
        %rem3A_59 = arith.remui %rem3A, %rem3A_58 : i32
        %mul3A_60 = arith.constant 64 : i32
        %mul3A_61 = arith.muli %mul3A_60, %add3A_31 : i32
        %dma_start3A = arith.constant 0 : i32
        %dma_start3A_62 = arith.constant 0 : i32
        %dma_start3A_63 = tpu.memref_slice %run_scoped3A[%rem3A_59, %dma_start3A, %dma_start3A_62] : memref<2x64x3xf32, #tpu.memory_space<vmem>> -> memref<1x64x3xf32, #tpu.memory_space<vmem>>
        %dma_start3A_64 = tpu.memref_squeeze %dma_start3A_63 : memref<1x64x3xf32, #tpu.memory_space<vmem>> -> memref<64x3xf32, #tpu.memory_space<vmem>>
        %dma_start3A_65 = arith.constant 0 : i32
        %dma_start3A_66 = tpu.memref_slice %arg2[%mul3A_61, %dma_start3A_65] : memref<160000x3xf32, #tpu.memory_space<hbm>> -> memref<64x3xf32, #tpu.memory_space<hbm>>
        %dma_start3A_67 = tpu.memref_slice %run_scoped3A_17[%rem3A_59] : memref<2x!tpu.dma_semaphore, #tpu.memory_space<semaphore_mem>> -> memref<1x!tpu.dma_semaphore, #tpu.memory_space<semaphore_mem>>
        %dma_start3A_68 = tpu.memref_squeeze %dma_start3A_67 : memref<1x!tpu.dma_semaphore, #tpu.memory_space<semaphore_mem>> -> memref<!tpu.dma_semaphore, #tpu.memory_space<semaphore_mem>>
        %dma_start3A_69 = arith.constant 0 : i32
        %dma_start3A_70 = arith.constant 0 : i32
        %dma_start3A_71 = tpu.memref_slice %run_scoped3A[%rem3A_59, %dma_start3A_69, %dma_start3A_70] : memref<2x64x3xf32, #tpu.memory_space<vmem>> -> memref<1x64x3xf32, #tpu.memory_space<vmem>>
        %dma_start3A_72 = tpu.memref_squeeze %dma_start3A_71 : memref<1x64x3xf32, #tpu.memory_space<vmem>> -> memref<64x3xf32, #tpu.memory_space<vmem>>
        %dma_start3A_73 = arith.constant 0 : i32
        %dma_start3A_74 = tpu.memref_slice %arg2[%mul3A_61, %dma_start3A_73] : memref<160000x3xf32, #tpu.memory_space<hbm>> -> memref<64x3xf32, #tpu.memory_space<hbm>>
        tpu.enqueue_dma source(%dma_start3A_74 : memref<64x3xf32, #tpu.memory_space<hbm>>) target(%dma_start3A_72 : memref<64x3xf32, #tpu.memory_space<vmem>>) target_semaphore(%dma_start3A_68 : memref<!tpu.dma_semaphore, #tpu.memory_space<semaphore_mem>>)
        %add3A_75 = arith.constant 0 : i32
        %add3A_76 = arith.constant 1 : i32
        %add3A_77 = arith.addi %add3A_75, %add3A_76 : i32
        %select_n3A_78 = arith.constant true
        %select_n3A_79 = arith.constant 0 : i32
        %select_n3A_80 = arith.select %select_n3A_78, %add3A_77, %select_n3A_79 : i32
        %rem3A_81 = arith.constant 0 : i32
        %rem3A_82 = arith.constant 2 : i32
        %rem3A_83 = arith.remui %rem3A_81, %rem3A_82 : i32
        %mul3A_84 = arith.constant 64 : i32
        %mul3A_85 = arith.muli %mul3A_84, %add3A_31 : i32
        %dma_start3A_86 = arith.constant 0 : i32
        %dma_start3A_87 = arith.constant 0 : i32
        %dma_start3A_88 = tpu.memref_slice %run_scoped3A_18[%rem3A_83, %dma_start3A_86, %dma_start3A_87] : memref<2x64x16xf32, #tpu.memory_space<vmem>> -> memref<1x64x16xf32, #tpu.memory_space<vmem>>
        %dma_start3A_89 = tpu.memref_squeeze %dma_start3A_88 : memref<1x64x16xf32, #tpu.memory_space<vmem>> -> memref<64x16xf32, #tpu.memory_space<vmem>>
        %dma_start3A_90 = arith.constant 0 : i32
        %dma_start3A_91 = tpu.memref_slice %arg3[%mul3A_85, %dma_start3A_90] : memref<160000x16xf32, #tpu.memory_space<hbm>> -> memref<64x16xf32, #tpu.memory_space<hbm>>
        %dma_start3A_92 = tpu.memref_slice %run_scoped3A_19[%rem3A_83] : memref<2x!tpu.dma_semaphore, #tpu.memory_space<semaphore_mem>> -> memref<1x!tpu.dma_semaphore, #tpu.memory_space<semaphore_mem>>
        %dma_start3A_93 = tpu.memref_squeeze %dma_start3A_92 : memref<1x!tpu.dma_semaphore, #tpu.memory_space<semaphore_mem>> -> memref<!tpu.dma_semaphore, #tpu.memory_space<semaphore_mem>>
        %dma_start3A_94 = arith.constant 0 : i32
        %dma_start3A_95 = arith.constant 0 : i32
        %dma_start3A_96 = tpu.memref_slice %run_scoped3A_18[%rem3A_83, %dma_start3A_94, %dma_start3A_95] : memref<2x64x16xf32, #tpu.memory_space<vmem>> -> memref<1x64x16xf32, #tpu.memory_space<vmem>>
        %dma_start3A_97 = tpu.memref_squeeze %dma_start3A_96 : memref<1x64x16xf32, #tpu.memory_space<vmem>> -> memref<64x16xf32, #tpu.memory_space<vmem>>
        %dma_start3A_98 = arith.constant 0 : i32
        %dma_start3A_99 = tpu.memref_slice %arg3[%mul3A_85, %dma_start3A_98] : memref<160000x16xf32, #tpu.memory_space<hbm>> -> memref<64x16xf32, #tpu.memory_space<hbm>>
        tpu.enqueue_dma source(%dma_start3A_99 : memref<64x16xf32, #tpu.memory_space<hbm>>) target(%dma_start3A_97 : memref<64x16xf32, #tpu.memory_space<vmem>>) target_semaphore(%dma_start3A_93 : memref<!tpu.dma_semaphore, #tpu.memory_space<semaphore_mem>>)
        %add3A_100 = arith.constant 0 : i32
        %add3A_101 = arith.constant 1 : i32
        %add3A_102 = arith.addi %add3A_100, %add3A_101 : i32
        %select_n3A_103 = arith.constant true
        %select_n3A_104 = arith.constant 0 : i32
        %select_n3A_105 = arith.select %select_n3A_103, %add3A_102, %select_n3A_104 : i32
        %rem3A_106 = arith.constant 0 : i32
        %rem3A_107 = arith.constant 2 : i32
        %rem3A_108 = arith.remui %rem3A_106, %rem3A_107 : i32
        %mul3A_109 = arith.constant 64 : i32
        %mul3A_110 = arith.muli %mul3A_109, %add3A_31 : i32
        %dma_start3A_111 = arith.constant 0 : i32
        %dma_start3A_112 = arith.constant 0 : i32
        %dma_start3A_113 = tpu.memref_slice %run_scoped3A_20[%rem3A_108, %dma_start3A_111, %dma_start3A_112] : memref<2x64x16xf32, #tpu.memory_space<vmem>> -> memref<1x64x16xf32, #tpu.memory_space<vmem>>
        %dma_start3A_114 = tpu.memref_squeeze %dma_start3A_113 : memref<1x64x16xf32, #tpu.memory_space<vmem>> -> memref<64x16xf32, #tpu.memory_space<vmem>>
        %dma_start3A_115 = arith.constant 0 : i32
        %dma_start3A_116 = tpu.memref_slice %arg4[%mul3A_110, %dma_start3A_115] : memref<160000x16xf32, #tpu.memory_space<hbm>> -> memref<64x16xf32, #tpu.memory_space<hbm>>
        %dma_start3A_117 = tpu.memref_slice %run_scoped3A_21[%rem3A_108] : memref<2x!tpu.dma_semaphore, #tpu.memory_space<semaphore_mem>> -> memref<1x!tpu.dma_semaphore, #tpu.memory_space<semaphore_mem>>
        %dma_start3A_118 = tpu.memref_squeeze %dma_start3A_117 : memref<1x!tpu.dma_semaphore, #tpu.memory_space<semaphore_mem>> -> memref<!tpu.dma_semaphore, #tpu.memory_space<semaphore_mem>>
        %dma_start3A_119 = arith.constant 0 : i32
        %dma_start3A_120 = arith.constant 0 : i32
        %dma_start3A_121 = tpu.memref_slice %run_scoped3A_20[%rem3A_108, %dma_start3A_119, %dma_start3A_120] : memref<2x64x16xf32, #tpu.memory_space<vmem>> -> memref<1x64x16xf32, #tpu.memory_space<vmem>>
        %dma_start3A_122 = tpu.memref_squeeze %dma_start3A_121 : memref<1x64x16xf32, #tpu.memory_space<vmem>> -> memref<64x16xf32, #tpu.memory_space<vmem>>
        %dma_start3A_123 = arith.constant 0 : i32
        %dma_start3A_124 = tpu.memref_slice %arg4[%mul3A_110, %dma_start3A_123] : memref<160000x16xf32, #tpu.memory_space<hbm>> -> memref<64x16xf32, #tpu.memory_space<hbm>>
        tpu.enqueue_dma source(%dma_start3A_124 : memref<64x16xf32, #tpu.memory_space<hbm>>) target(%dma_start3A_122 : memref<64x16xf32, #tpu.memory_space<vmem>>) target_semaphore(%dma_start3A_118 : memref<!tpu.dma_semaphore, #tpu.memory_space<semaphore_mem>>)
        %add3A_125 = arith.constant 0 : i32
        %add3A_126 = arith.constant 1 : i32
        %add3A_127 = arith.addi %add3A_125, %add3A_126 : i32
        %select_n3A_128 = arith.constant true
        %select_n3A_129 = arith.constant 0 : i32
        %select_n3A_130 = arith.select %select_n3A_128, %add3A_127, %select_n3A_129 : i32
        %while3A = arith.constant 0 : i32
        %while3A_131 = arith.constant 0 : i32
        %while3A_132 = arith.constant 0 : i32
        %while3A_133 = arith.constant 0 : i32
        %while3A_134 = arith.constant 0 : i32
        %while3A_135 = arith.constant 0 : i32
        %while3A_136 = arith.constant 0 : i32
        "tpu.trace_stop"() : () -> ()
        %while3A_137 = arith.subi %mul3A_16, %while3A : i32
        %while3A_138 = arith.addi %while3A, %while3A_137 : i32
        %while3A_139 = arith.constant 1 : i32
        %while3A_140 = arith.divsi %while3A_137, %while3A_139 : i32
        %while3A_141 = arith.muli %while3A_140, %while3A_139 : i32
        %while3A_142 = arith.addi %while3A, %while3A_141 : i32
        %while3A_143 = arith.constant 1 : i32
        %while3A_144:9 = scf.for %while3A_204 = %while3A to %while3A_142 step %while3A_143 iter_args(%while3A_205 = %select_n3A_80, %while3A_206 = %while3A_131, %while3A_207 = %select_n3A_105, %while3A_208 = %while3A_132, %while3A_209 = %select_n3A_130, %while3A_210 = %while3A_133, %while3A_211 = %while3A_134, %while3A_212 = %while3A_135, %while3A_213 = %while3A_136) -> (i32, i32, i32, i32, i32, i32, i32, i32, i32)  : i32 {
          %mul3A_214 = arith.constant 1 : i32
          %mul3A_215 = arith.muli %mul3A_214, %select_n3A : i32
          %eq3A_216 = arith.constant 0 : i32
          %eq3A_217 = arith.cmpi eq, %while3A_204, %eq3A_216 : i32
          %sub3A_218 = arith.constant 1 : i32
          %sub3A_219 = arith.subi %mul3A_215, %sub3A_218 : i32
          %eq3A_220 = arith.cmpi eq, %while3A_204, %sub3A_219 : i32
          %add3A_221 = arith.addi %while3A_213, %select_n3A_14 : i32
          %sub3A_222 = arith.constant 1 : i32
          %sub3A_223 = arith.subi %while3A_213, %sub3A_222 : i32
          %select_n3A_224 = arith.constant true
          %select_n3A_225 = arith.select %select_n3A_224, %sub3A_223, %while3A_213 : i32
          %eq3A_226 = arith.constant -1 : i32
          %eq3A_227 = arith.cmpi eq, %select_n3A_225, %eq3A_226 : i32
          %sub3A_228 = arith.constant 1 : i32
          %sub3A_229 = arith.subi %select_n3A, %sub3A_228 : i32
          %select_n3A_230 = arith.select %eq3A_227, %sub3A_229, %select_n3A_225 : i32
          %add3A_231 = arith.addi %select_n3A_230, %select_n3A_14 : i32
          %add3A_232 = arith.constant 1 : i32
          %add3A_233 = arith.addi %while3A_213, %add3A_232 : i32
          %select_n3A_234 = arith.constant true
          %select_n3A_235 = arith.select %select_n3A_234, %add3A_233, %while3A_213 : i32
          %eq3A_236 = arith.cmpi eq, %select_n3A_235, %select_n3A : i32
          %select_n3A_237 = arith.constant 0 : i32
          %select_n3A_238 = arith.select %eq3A_236, %select_n3A_237, %select_n3A_235 : i32
          %add3A_239 = arith.addi %select_n3A_238, %select_n3A_14 : i32
          %add3A_240 = arith.constant 1 : i32
          %add3A_241 = arith.addi %select_n3A_238, %add3A_240 : i32
          %select_n3A_242 = arith.constant true
          %select_n3A_243 = arith.select %select_n3A_242, %add3A_241, %select_n3A_238 : i32
          %eq3A_244 = arith.cmpi eq, %select_n3A_243, %select_n3A : i32
          %select_n3A_245 = arith.constant 0 : i32
          %select_n3A_246 = arith.select %eq3A_244, %select_n3A_245, %select_n3A_243 : i32
          %add3A_247 = arith.addi %select_n3A_246, %select_n3A_14 : i32
          %ne3A = arith.cmpi ne, %add3A_221, %add3A_239 : i32
          %or3A = arith.constant false
          %or3A_248 = arith.ori %or3A, %ne3A : i1
          %or3A_249 = arith.constant false
          %or3A_250 = arith.ori %or3A_248, %or3A_249 : i1
          %sub3A_251 = arith.constant 2 : i32
          %sub3A_252 = arith.subi %mul3A_215, %sub3A_251 : i32
          %add3A_253 = arith.constant 1 : i32
          %add3A_254 = arith.addi %sub3A_252, %add3A_253 : i32
          %ge3A = arith.cmpi sge, %while3A_204, %add3A_254 : i32
          %not3A = arith.constant true
          %not3A_255 = arith.xori %ge3A, %not3A : i1
          %and3A = arith.andi %or3A_250, %not3A_255 : i1
          %convert_element_type3A_256 = arith.extui %and3A : i1 to i32
          %cond3A_257 = arith.constant 0 : i32
          %cond3A_258 = arith.cmpi ne, %convert_element_type3A_256, %cond3A_257 : i32
          scf.if %cond3A_258 {
            "tpu.trace_start"() <{level = 10 : i32, message = "ep_copy_in"}> : () -> ()
            %rem3A_503 = arith.constant 2 : i32
            %rem3A_504 = arith.remui %while3A_205, %rem3A_503 : i32
            %mul3A_505 = arith.constant 64 : i32
            %mul3A_506 = arith.muli %mul3A_505, %add3A_239 : i32
            %dma_start3A_507 = arith.constant 0 : i32
            %dma_start3A_508 = arith.constant 0 : i32
            %dma_start3A_509 = tpu.memref_slice %run_scoped3A[%rem3A_504, %dma_start3A_507, %dma_start3A_508] : memref<2x64x3xf32, #tpu.memory_space<vmem>> -> memref<1x64x3xf32, #tpu.memory_space<vmem>>
            %dma_start3A_510 = tpu.memref_squeeze %dma_start3A_509 : memref<1x64x3xf32, #tpu.memory_space<vmem>> -> memref<64x3xf32, #tpu.memory_space<vmem>>
            %dma_start3A_511 = arith.constant 0 : i32
            %dma_start3A_512 = tpu.memref_slice %arg2[%mul3A_506, %dma_start3A_511] : memref<160000x3xf32, #tpu.memory_space<hbm>> -> memref<64x3xf32, #tpu.memory_space<hbm>>
            %dma_start3A_513 = tpu.memref_slice %run_scoped3A_17[%rem3A_504] : memref<2x!tpu.dma_semaphore, #tpu.memory_space<semaphore_mem>> -> memref<1x!tpu.dma_semaphore, #tpu.memory_space<semaphore_mem>>
            %dma_start3A_514 = tpu.memref_squeeze %dma_start3A_513 : memref<1x!tpu.dma_semaphore, #tpu.memory_space<semaphore_mem>> -> memref<!tpu.dma_semaphore, #tpu.memory_space<semaphore_mem>>
            %dma_start3A_515 = arith.constant 0 : i32
            %dma_start3A_516 = arith.constant 0 : i32
            %dma_start3A_517 = tpu.memref_slice %run_scoped3A[%rem3A_504, %dma_start3A_515, %dma_start3A_516] : memref<2x64x3xf32, #tpu.memory_space<vmem>> -> memref<1x64x3xf32, #tpu.memory_space<vmem>>
            %dma_start3A_518 = tpu.memref_squeeze %dma_start3A_517 : memref<1x64x3xf32, #tpu.memory_space<vmem>> -> memref<64x3xf32, #tpu.memory_space<vmem>>
            %dma_start3A_519 = arith.constant 0 : i32
            %dma_start3A_520 = tpu.memref_slice %arg2[%mul3A_506, %dma_start3A_519] : memref<160000x3xf32, #tpu.memory_space<hbm>> -> memref<64x3xf32, #tpu.memory_space<hbm>>
            tpu.enqueue_dma source(%dma_start3A_520 : memref<64x3xf32, #tpu.memory_space<hbm>>) target(%dma_start3A_518 : memref<64x3xf32, #tpu.memory_space<vmem>>) target_semaphore(%dma_start3A_514 : memref<!tpu.dma_semaphore, #tpu.memory_space<semaphore_mem>>)
            "tpu.trace_stop"() : () -> ()
          } else {
          }
          %and3A_259 = arith.constant true
          %and3A_260 = arith.andi %and3A, %and3A_259 : i1
          %add3A_261 = arith.constant 1 : i32
          %add3A_262 = arith.addi %while3A_205, %add3A_261 : i32
          %select_n3A_263 = arith.select %and3A_260, %add3A_262, %while3A_205 : i32
          %ne3A_264 = arith.cmpi ne, %add3A_221, %add3A_239 : i32
          %or3A_265 = arith.constant false
          %or3A_266 = arith.ori %or3A_265, %ne3A_264 : i1
          %or3A_267 = arith.constant false
          %or3A_268 = arith.ori %or3A_266, %or3A_267 : i1
          %sub3A_269 = arith.constant 2 : i32
          %sub3A_270 = arith.subi %mul3A_215, %sub3A_269 : i32
          %add3A_271 = arith.constant 1 : i32
          %add3A_272 = arith.addi %sub3A_270, %add3A_271 : i32
          %ge3A_273 = arith.cmpi sge, %while3A_204, %add3A_272 : i32
          %not3A_274 = arith.constant true
          %not3A_275 = arith.xori %ge3A_273, %not3A_274 : i1
          %and3A_276 = arith.andi %or3A_268, %not3A_275 : i1
          %convert_element_type3A_277 = arith.extui %and3A_276 : i1 to i32
          %cond3A_278 = arith.constant 0 : i32
          %cond3A_279 = arith.cmpi ne, %convert_element_type3A_277, %cond3A_278 : i32
          scf.if %cond3A_279 {
            "tpu.trace_start"() <{level = 10 : i32, message = "ep_copy_in"}> : () -> ()
            %rem3A_503 = arith.constant 2 : i32
            %rem3A_504 = arith.remui %while3A_207, %rem3A_503 : i32
            %mul3A_505 = arith.constant 64 : i32
            %mul3A_506 = arith.muli %mul3A_505, %add3A_239 : i32
            %dma_start3A_507 = arith.constant 0 : i32
            %dma_start3A_508 = arith.constant 0 : i32
            %dma_start3A_509 = tpu.memref_slice %run_scoped3A_18[%rem3A_504, %dma_start3A_507, %dma_start3A_508] : memref<2x64x16xf32, #tpu.memory_space<vmem>> -> memref<1x64x16xf32, #tpu.memory_space<vmem>>
            %dma_start3A_510 = tpu.memref_squeeze %dma_start3A_509 : memref<1x64x16xf32, #tpu.memory_space<vmem>> -> memref<64x16xf32, #tpu.memory_space<vmem>>
            %dma_start3A_511 = arith.constant 0 : i32
            %dma_start3A_512 = tpu.memref_slice %arg3[%mul3A_506, %dma_start3A_511] : memref<160000x16xf32, #tpu.memory_space<hbm>> -> memref<64x16xf32, #tpu.memory_space<hbm>>
            %dma_start3A_513 = tpu.memref_slice %run_scoped3A_19[%rem3A_504] : memref<2x!tpu.dma_semaphore, #tpu.memory_space<semaphore_mem>> -> memref<1x!tpu.dma_semaphore, #tpu.memory_space<semaphore_mem>>
            %dma_start3A_514 = tpu.memref_squeeze %dma_start3A_513 : memref<1x!tpu.dma_semaphore, #tpu.memory_space<semaphore_mem>> -> memref<!tpu.dma_semaphore, #tpu.memory_space<semaphore_mem>>
            %dma_start3A_515 = arith.constant 0 : i32
            %dma_start3A_516 = arith.constant 0 : i32
            %dma_start3A_517 = tpu.memref_slice %run_scoped3A_18[%rem3A_504, %dma_start3A_515, %dma_start3A_516] : memref<2x64x16xf32, #tpu.memory_space<vmem>> -> memref<1x64x16xf32, #tpu.memory_space<vmem>>
            %dma_start3A_518 = tpu.memref_squeeze %dma_start3A_517 : memref<1x64x16xf32, #tpu.memory_space<vmem>> -> memref<64x16xf32, #tpu.memory_space<vmem>>
            %dma_start3A_519 = arith.constant 0 : i32
            %dma_start3A_520 = tpu.memref_slice %arg3[%mul3A_506, %dma_start3A_519] : memref<160000x16xf32, #tpu.memory_space<hbm>> -> memref<64x16xf32, #tpu.memory_space<hbm>>
            tpu.enqueue_dma source(%dma_start3A_520 : memref<64x16xf32, #tpu.memory_space<hbm>>) target(%dma_start3A_518 : memref<64x16xf32, #tpu.memory_space<vmem>>) target_semaphore(%dma_start3A_514 : memref<!tpu.dma_semaphore, #tpu.memory_space<semaphore_mem>>)
            "tpu.trace_stop"() : () -> ()
          } else {
          }
          %and3A_280 = arith.constant true
          %and3A_281 = arith.andi %and3A_276, %and3A_280 : i1
          %add3A_282 = arith.constant 1 : i32
          %add3A_283 = arith.addi %while3A_207, %add3A_282 : i32
          %select_n3A_284 = arith.select %and3A_281, %add3A_283, %while3A_207 : i32
          %ne3A_285 = arith.cmpi ne, %add3A_221, %add3A_239 : i32
          %or3A_286 = arith.constant false
          %or3A_287 = arith.ori %or3A_286, %ne3A_285 : i1
          %or3A_288 = arith.constant false
          %or3A_289 = arith.ori %or3A_287, %or3A_288 : i1
          %sub3A_290 = arith.constant 2 : i32
          %sub3A_291 = arith.subi %mul3A_215, %sub3A_290 : i32
          %add3A_292 = arith.constant 1 : i32
          %add3A_293 = arith.addi %sub3A_291, %add3A_292 : i32
          %ge3A_294 = arith.cmpi sge, %while3A_204, %add3A_293 : i32
          %not3A_295 = arith.constant true
          %not3A_296 = arith.xori %ge3A_294, %not3A_295 : i1
          %and3A_297 = arith.andi %or3A_289, %not3A_296 : i1
          %convert_element_type3A_298 = arith.extui %and3A_297 : i1 to i32
          %cond3A_299 = arith.constant 0 : i32
          %cond3A_300 = arith.cmpi ne, %convert_element_type3A_298, %cond3A_299 : i32
          scf.if %cond3A_300 {
            "tpu.trace_start"() <{level = 10 : i32, message = "ep_copy_in"}> : () -> ()
            %rem3A_503 = arith.constant 2 : i32
            %rem3A_504 = arith.remui %while3A_209, %rem3A_503 : i32
            %mul3A_505 = arith.constant 64 : i32
            %mul3A_506 = arith.muli %mul3A_505, %add3A_239 : i32
            %dma_start3A_507 = arith.constant 0 : i32
            %dma_start3A_508 = arith.constant 0 : i32
            %dma_start3A_509 = tpu.memref_slice %run_scoped3A_20[%rem3A_504, %dma_start3A_507, %dma_start3A_508] : memref<2x64x16xf32, #tpu.memory_space<vmem>> -> memref<1x64x16xf32, #tpu.memory_space<vmem>>
            %dma_start3A_510 = tpu.memref_squeeze %dma_start3A_509 : memref<1x64x16xf32, #tpu.memory_space<vmem>> -> memref<64x16xf32, #tpu.memory_space<vmem>>
            %dma_start3A_511 = arith.constant 0 : i32
            %dma_start3A_512 = tpu.memref_slice %arg4[%mul3A_506, %dma_start3A_511] : memref<160000x16xf32, #tpu.memory_space<hbm>> -> memref<64x16xf32, #tpu.memory_space<hbm>>
            %dma_start3A_513 = tpu.memref_slice %run_scoped3A_21[%rem3A_504] : memref<2x!tpu.dma_semaphore, #tpu.memory_space<semaphore_mem>> -> memref<1x!tpu.dma_semaphore, #tpu.memory_space<semaphore_mem>>
            %dma_start3A_514 = tpu.memref_squeeze %dma_start3A_513 : memref<1x!tpu.dma_semaphore, #tpu.memory_space<semaphore_mem>> -> memref<!tpu.dma_semaphore, #tpu.memory_space<semaphore_mem>>
            %dma_start3A_515 = arith.constant 0 : i32
            %dma_start3A_516 = arith.constant 0 : i32
            %dma_start3A_517 = tpu.memref_slice %run_scoped3A_20[%rem3A_504, %dma_start3A_515, %dma_start3A_516] : memref<2x64x16xf32, #tpu.memory_space<vmem>> -> memref<1x64x16xf32, #tpu.memory_space<vmem>>
            %dma_start3A_518 = tpu.memref_squeeze %dma_start3A_517 : memref<1x64x16xf32, #tpu.memory_space<vmem>> -> memref<64x16xf32, #tpu.memory_space<vmem>>
            %dma_start3A_519 = arith.constant 0 : i32
            %dma_start3A_520 = tpu.memref_slice %arg4[%mul3A_506, %dma_start3A_519] : memref<160000x16xf32, #tpu.memory_space<hbm>> -> memref<64x16xf32, #tpu.memory_space<hbm>>
            tpu.enqueue_dma source(%dma_start3A_520 : memref<64x16xf32, #tpu.memory_space<hbm>>) target(%dma_start3A_518 : memref<64x16xf32, #tpu.memory_space<vmem>>) target_semaphore(%dma_start3A_514 : memref<!tpu.dma_semaphore, #tpu.memory_space<semaphore_mem>>)
            "tpu.trace_stop"() : () -> ()
          } else {
          }
          %and3A_301 = arith.constant true
          %and3A_302 = arith.andi %and3A_297, %and3A_301 : i1
          %add3A_303 = arith.constant 1 : i32
          %add3A_304 = arith.addi %while3A_209, %add3A_303 : i32
          %select_n3A_305 = arith.select %and3A_302, %add3A_304, %while3A_209 : i32
          %ne3A_306 = arith.cmpi ne, %add3A_221, %add3A_239 : i32
          %or3A_307 = arith.constant false
          %or3A_308 = arith.ori %or3A_307, %ne3A_306 : i1
          %or3A_309 = arith.constant false
          %or3A_310 = arith.ori %or3A_308, %or3A_309 : i1
          %sub3A_311 = arith.constant 2 : i32
          %sub3A_312 = arith.subi %mul3A_215, %sub3A_311 : i32
          %add3A_313 = arith.constant 1 : i32
          %add3A_314 = arith.addi %sub3A_312, %add3A_313 : i32
          %ge3A_315 = arith.cmpi sge, %while3A_204, %add3A_314 : i32
          %not3A_316 = arith.constant true
          %not3A_317 = arith.xori %ge3A_315, %not3A_316 : i1
          %and3A_318 = arith.andi %or3A_310, %not3A_317 : i1
          %ne3A_319 = arith.cmpi ne, %add3A_221, %add3A_231 : i32
          %or3A_320 = arith.constant false
          %or3A_321 = arith.ori %or3A_320, %ne3A_319 : i1
          %or3A_322 = arith.constant false
          %or3A_323 = arith.ori %or3A_321, %or3A_322 : i1
          %or3A_324 = arith.ori %or3A_323, %eq3A_217 : i1
          %convert_element_type3A_325 = arith.extui %or3A_324 : i1 to i32
          %cond3A_326 = arith.constant 0 : i32
          %cond3A_327 = arith.cmpi ne, %convert_element_type3A_325, %cond3A_326 : i32
          scf.if %cond3A_327 {
            "tpu.trace_start"() <{level = 10 : i32, message = "ep_wait_in"}> : () -> ()
            %mul3A_503 = arith.constant 64 : i32
            %mul3A_504 = arith.muli %mul3A_503, %add3A_221 : i32
            %rem3A_505 = arith.constant 2 : i32
            %rem3A_506 = arith.remui %while3A_206, %rem3A_505 : i32
            %dma_wait3A = arith.constant 0 : i32
            %dma_wait3A_507 = arith.constant 0 : i32
            %dma_wait3A_508 = tpu.memref_slice %run_scoped3A[%rem3A_506, %dma_wait3A, %dma_wait3A_507] : memref<2x64x3xf32, #tpu.memory_space<vmem>> -> memref<1x64x3xf32, #tpu.memory_space<vmem>>
            %dma_wait3A_509 = tpu.memref_squeeze %dma_wait3A_508 : memref<1x64x3xf32, #tpu.memory_space<vmem>> -> memref<64x3xf32, #tpu.memory_space<vmem>>
            %dma_wait3A_510 = arith.constant 0 : i32
            %dma_wait3A_511 = tpu.memref_slice %arg2[%mul3A_504, %dma_wait3A_510] : memref<160000x3xf32, #tpu.memory_space<hbm>> -> memref<64x3xf32, #tpu.memory_space<hbm>>
            %dma_wait3A_512 = tpu.memref_slice %run_scoped3A_17[%rem3A_506] : memref<2x!tpu.dma_semaphore, #tpu.memory_space<semaphore_mem>> -> memref<1x!tpu.dma_semaphore, #tpu.memory_space<semaphore_mem>>
            %dma_wait3A_513 = tpu.memref_squeeze %dma_wait3A_512 : memref<1x!tpu.dma_semaphore, #tpu.memory_space<semaphore_mem>> -> memref<!tpu.dma_semaphore, #tpu.memory_space<semaphore_mem>>
            %dma_wait3A_514 = arith.constant 0 : i32
            %dma_wait3A_515 = arith.constant 0 : i32
            %dma_wait3A_516 = tpu.memref_slice %run_scoped3A[%rem3A_506, %dma_wait3A_514, %dma_wait3A_515] : memref<2x64x3xf32, #tpu.memory_space<vmem>> -> memref<1x64x3xf32, #tpu.memory_space<vmem>>
            %dma_wait3A_517 = tpu.memref_squeeze %dma_wait3A_516 : memref<1x64x3xf32, #tpu.memory_space<vmem>> -> memref<64x3xf32, #tpu.memory_space<vmem>>
            %dma_wait3A_518 = arith.constant 0 : i32
            %dma_wait3A_519 = tpu.memref_slice %arg2[%mul3A_504, %dma_wait3A_518] : memref<160000x3xf32, #tpu.memory_space<hbm>> -> memref<64x3xf32, #tpu.memory_space<hbm>>
            tpu.wait_dma2 semaphore(%dma_wait3A_513 : memref<!tpu.dma_semaphore, #tpu.memory_space<semaphore_mem>>) src(%dma_wait3A_519 : memref<64x3xf32, #tpu.memory_space<hbm>>) dst(%dma_wait3A_517 : memref<64x3xf32, #tpu.memory_space<vmem>>)
            "tpu.trace_stop"() : () -> ()
          } else {
          }
          %ne3A_328 = arith.cmpi ne, %add3A_221, %add3A_231 : i32
          %or3A_329 = arith.constant false
          %or3A_330 = arith.ori %or3A_329, %ne3A_328 : i1
          %or3A_331 = arith.constant false
          %or3A_332 = arith.ori %or3A_330, %or3A_331 : i1
          %or3A_333 = arith.ori %or3A_332, %eq3A_217 : i1
          %convert_element_type3A_334 = arith.extui %or3A_333 : i1 to i32
          %cond3A_335 = arith.constant 0 : i32
          %cond3A_336 = arith.cmpi ne, %convert_element_type3A_334, %cond3A_335 : i32
          scf.if %cond3A_336 {
            "tpu.trace_start"() <{level = 10 : i32, message = "ep_wait_in"}> : () -> ()
            %mul3A_503 = arith.constant 64 : i32
            %mul3A_504 = arith.muli %mul3A_503, %add3A_221 : i32
            %rem3A_505 = arith.constant 2 : i32
            %rem3A_506 = arith.remui %while3A_208, %rem3A_505 : i32
            %dma_wait3A = arith.constant 0 : i32
            %dma_wait3A_507 = arith.constant 0 : i32
            %dma_wait3A_508 = tpu.memref_slice %run_scoped3A_18[%rem3A_506, %dma_wait3A, %dma_wait3A_507] : memref<2x64x16xf32, #tpu.memory_space<vmem>> -> memref<1x64x16xf32, #tpu.memory_space<vmem>>
            %dma_wait3A_509 = tpu.memref_squeeze %dma_wait3A_508 : memref<1x64x16xf32, #tpu.memory_space<vmem>> -> memref<64x16xf32, #tpu.memory_space<vmem>>
            %dma_wait3A_510 = arith.constant 0 : i32
            %dma_wait3A_511 = tpu.memref_slice %arg3[%mul3A_504, %dma_wait3A_510] : memref<160000x16xf32, #tpu.memory_space<hbm>> -> memref<64x16xf32, #tpu.memory_space<hbm>>
            %dma_wait3A_512 = tpu.memref_slice %run_scoped3A_19[%rem3A_506] : memref<2x!tpu.dma_semaphore, #tpu.memory_space<semaphore_mem>> -> memref<1x!tpu.dma_semaphore, #tpu.memory_space<semaphore_mem>>
            %dma_wait3A_513 = tpu.memref_squeeze %dma_wait3A_512 : memref<1x!tpu.dma_semaphore, #tpu.memory_space<semaphore_mem>> -> memref<!tpu.dma_semaphore, #tpu.memory_space<semaphore_mem>>
            %dma_wait3A_514 = arith.constant 0 : i32
            %dma_wait3A_515 = arith.constant 0 : i32
            %dma_wait3A_516 = tpu.memref_slice %run_scoped3A_18[%rem3A_506, %dma_wait3A_514, %dma_wait3A_515] : memref<2x64x16xf32, #tpu.memory_space<vmem>> -> memref<1x64x16xf32, #tpu.memory_space<vmem>>
            %dma_wait3A_517 = tpu.memref_squeeze %dma_wait3A_516 : memref<1x64x16xf32, #tpu.memory_space<vmem>> -> memref<64x16xf32, #tpu.memory_space<vmem>>
            %dma_wait3A_518 = arith.constant 0 : i32
            %dma_wait3A_519 = tpu.memref_slice %arg3[%mul3A_504, %dma_wait3A_518] : memref<160000x16xf32, #tpu.memory_space<hbm>> -> memref<64x16xf32, #tpu.memory_space<hbm>>
            tpu.wait_dma2 semaphore(%dma_wait3A_513 : memref<!tpu.dma_semaphore, #tpu.memory_space<semaphore_mem>>) src(%dma_wait3A_519 : memref<64x16xf32, #tpu.memory_space<hbm>>) dst(%dma_wait3A_517 : memref<64x16xf32, #tpu.memory_space<vmem>>)
            "tpu.trace_stop"() : () -> ()
          } else {
          }
          %ne3A_337 = arith.cmpi ne, %add3A_221, %add3A_231 : i32
          %or3A_338 = arith.constant false
          %or3A_339 = arith.ori %or3A_338, %ne3A_337 : i1
          %or3A_340 = arith.constant false
          %or3A_341 = arith.ori %or3A_339, %or3A_340 : i1
          %or3A_342 = arith.ori %or3A_341, %eq3A_217 : i1
          %convert_element_type3A_343 = arith.extui %or3A_342 : i1 to i32
          %cond3A_344 = arith.constant 0 : i32
          %cond3A_345 = arith.cmpi ne, %convert_element_type3A_343, %cond3A_344 : i32
          scf.if %cond3A_345 {
            "tpu.trace_start"() <{level = 10 : i32, message = "ep_wait_in"}> : () -> ()
            %mul3A_503 = arith.constant 64 : i32
            %mul3A_504 = arith.muli %mul3A_503, %add3A_221 : i32
            %rem3A_505 = arith.constant 2 : i32
            %rem3A_506 = arith.remui %while3A_210, %rem3A_505 : i32
            %dma_wait3A = arith.constant 0 : i32
            %dma_wait3A_507 = arith.constant 0 : i32
            %dma_wait3A_508 = tpu.memref_slice %run_scoped3A_20[%rem3A_506, %dma_wait3A, %dma_wait3A_507] : memref<2x64x16xf32, #tpu.memory_space<vmem>> -> memref<1x64x16xf32, #tpu.memory_space<vmem>>
            %dma_wait3A_509 = tpu.memref_squeeze %dma_wait3A_508 : memref<1x64x16xf32, #tpu.memory_space<vmem>> -> memref<64x16xf32, #tpu.memory_space<vmem>>
            %dma_wait3A_510 = arith.constant 0 : i32
            %dma_wait3A_511 = tpu.memref_slice %arg4[%mul3A_504, %dma_wait3A_510] : memref<160000x16xf32, #tpu.memory_space<hbm>> -> memref<64x16xf32, #tpu.memory_space<hbm>>
            %dma_wait3A_512 = tpu.memref_slice %run_scoped3A_21[%rem3A_506] : memref<2x!tpu.dma_semaphore, #tpu.memory_space<semaphore_mem>> -> memref<1x!tpu.dma_semaphore, #tpu.memory_space<semaphore_mem>>
            %dma_wait3A_513 = tpu.memref_squeeze %dma_wait3A_512 : memref<1x!tpu.dma_semaphore, #tpu.memory_space<semaphore_mem>> -> memref<!tpu.dma_semaphore, #tpu.memory_space<semaphore_mem>>
            %dma_wait3A_514 = arith.constant 0 : i32
            %dma_wait3A_515 = arith.constant 0 : i32
            %dma_wait3A_516 = tpu.memref_slice %run_scoped3A_20[%rem3A_506, %dma_wait3A_514, %dma_wait3A_515] : memref<2x64x16xf32, #tpu.memory_space<vmem>> -> memref<1x64x16xf32, #tpu.memory_space<vmem>>
            %dma_wait3A_517 = tpu.memref_squeeze %dma_wait3A_516 : memref<1x64x16xf32, #tpu.memory_space<vmem>> -> memref<64x16xf32, #tpu.memory_space<vmem>>
            %dma_wait3A_518 = arith.constant 0 : i32
            %dma_wait3A_519 = tpu.memref_slice %arg4[%mul3A_504, %dma_wait3A_518] : memref<160000x16xf32, #tpu.memory_space<hbm>> -> memref<64x16xf32, #tpu.memory_space<hbm>>
            tpu.wait_dma2 semaphore(%dma_wait3A_513 : memref<!tpu.dma_semaphore, #tpu.memory_space<semaphore_mem>>) src(%dma_wait3A_519 : memref<64x16xf32, #tpu.memory_space<hbm>>) dst(%dma_wait3A_517 : memref<64x16xf32, #tpu.memory_space<vmem>>)
            "tpu.trace_stop"() : () -> ()
          } else {
          }
          %ne3A_346 = arith.cmpi ne, %add3A_221, %add3A_231 : i32
          %or3A_347 = arith.constant false
          %or3A_348 = arith.ori %or3A_347, %ne3A_346 : i1
          %or3A_349 = arith.constant false
          %or3A_350 = arith.ori %or3A_348, %or3A_349 : i1
          %or3A_351 = arith.ori %or3A_350, %eq3A_217 : i1
          %convert_element_type3A_352 = arith.extui %or3A_351 : i1 to i32
          %cond3A_353 = arith.constant 0 : i32
          %cond3A_354 = arith.cmpi ne, %convert_element_type3A_352, %cond3A_353 : i32
          scf.if %cond3A_354 {
          } else {
          }
          %rem3A_355 = arith.constant 2 : i32
          %rem3A_356 = arith.remui %while3A_206, %rem3A_355 : i32
          %rem3A_357 = arith.constant 2 : i32
          %rem3A_358 = arith.remui %while3A_208, %rem3A_357 : i32
          %rem3A_359 = arith.constant 2 : i32
          %rem3A_360 = arith.remui %while3A_210, %rem3A_359 : i32
          %rem3A_361 = arith.constant 2 : i32
          %rem3A_362 = arith.remui %while3A_211, %rem3A_361 : i32
          "tpu.trace_start"() <{level = 10 : i32, message = "ep_run_kernel"}> : () -> ()
          %scan3A = arith.constant 0 : i32
          %scan3A_363 = arith.constant 64 : i32
          %scan3A_364 = arith.addi %scan3A, %scan3A_363 : i32
          %scan3A_365 = arith.constant 1 : i32
          scf.for %scan3A_503 = %scan3A to %scan3A_364 step %scan3A_365  : i32 {
            %mul3A_504 = arith.constant 1 : i32
            %mul3A_505 = arith.muli %scan3A_503, %mul3A_504 : i32
            %add3A_506 = arith.constant 0 : i32
            %add3A_507 = arith.addi %add3A_506, %mul3A_505 : i32
            %get3A = arith.constant 0 : i32
            %get3A_508 = arith.constant 0 : i32
            %get3A_509 = tpu.memref_slice %run_scoped3A_18[%rem3A_358, %get3A, %get3A_508] : memref<2x64x16xf32, #tpu.memory_space<vmem>> -> memref<1x64x16xf32, #tpu.memory_space<vmem>>
            %get3A_510 = tpu.memref_squeeze %get3A_509 : memref<1x64x16xf32, #tpu.memory_space<vmem>> -> memref<64x16xf32, #tpu.memory_space<vmem>>
            %get3A_511 = arith.index_cast %add3A_507 : i32 to index
            %get3A_512 = arith.constant 0 : index
            %get3A_513 = tpu.vector_load %get3A_510[%get3A_511, %get3A_512] {strides = array<i32>} : memref<64x16xf32, #tpu.memory_space<vmem>>, vector<1x16xf32>,
            %get3A_514 = vector.shape_cast %get3A_513 : vector<1x16xf32> to vector<1x16xf32>
            %get3A_515 = arith.constant 0 : i32
            %get3A_516 = arith.constant 0 : i32
            %get3A_517 = tpu.memref_slice %run_scoped3A_20[%rem3A_360, %get3A_515, %get3A_516] : memref<2x64x16xf32, #tpu.memory_space<vmem>> -> memref<1x64x16xf32, #tpu.memory_space<vmem>>
            %get3A_518 = tpu.memref_squeeze %get3A_517 : memref<1x64x16xf32, #tpu.memory_space<vmem>> -> memref<64x16xf32, #tpu.memory_space<vmem>>
            %get3A_519 = arith.index_cast %add3A_507 : i32 to index
            %get3A_520 = arith.constant 0 : index
            %get3A_521 = tpu.vector_load %get3A_518[%get3A_519, %get3A_520] {strides = array<i32>} : memref<64x16xf32, #tpu.memory_space<vmem>>, vector<1x16xf32>,
            %get3A_522 = vector.shape_cast %get3A_521 : vector<1x16xf32> to vector<1x16xf32>
            %mul3A_523 = arith.mulf %get3A_514, %get3A_522 : vector<1x16xf32>
            %swap3A = arith.constant 0 : i32
            %swap3A_524 = arith.constant 0 : i32
            %swap3A_525 = tpu.memref_slice %run_scoped3A_22[%rem3A_362, %swap3A, %swap3A_524] : memref<2x64x272xf32, #tpu.memory_space<vmem>> -> memref<1x64x272xf32, #tpu.memory_space<vmem>>
            %swap3A_526 = tpu.memref_squeeze %swap3A_525 : memref<1x64x272xf32, #tpu.memory_space<vmem>> -> memref<64x272xf32, #tpu.memory_space<vmem>>
            %swap3A_527 = arith.index_cast %add3A_507 : i32 to index
            %swap3A_528 = arith.constant 0 : index
            %swap3A_529 = tpu.vector_load %swap3A_526[%swap3A_527, %swap3A_528] {strides = array<i32>} : memref<64x272xf32, #tpu.memory_space<vmem>>, vector<1x16xf32>,
            %swap3A_530 = vector.shape_cast %swap3A_529 : vector<1x16xf32> to vector<1x16xf32>
            %swap3A_531 = vector.shape_cast %mul3A_523 : vector<1x16xf32> to vector<1x16xf32>
            tpu.vector_store %swap3A_526[%swap3A_527, %swap3A_528], %swap3A_531 {strides = array<i32>} : memref<64x272xf32, #tpu.memory_space<vmem>>, vector<1x16xf32>,
            %get3A_532 = arith.constant 0 : i32
            %get3A_533 = arith.constant 0 : i32
            %get3A_534 = tpu.memref_slice %run_scoped3A[%rem3A_356, %get3A_532, %get3A_533] : memref<2x64x3xf32, #tpu.memory_space<vmem>> -> memref<1x64x3xf32, #tpu.memory_space<vmem>>
            %get3A_535 = tpu.memref_squeeze %get3A_534 : memref<1x64x3xf32, #tpu.memory_space<vmem>> -> memref<64x3xf32, #tpu.memory_space<vmem>>
            %get3A_536 = arith.index_cast %add3A_507 : i32 to index
            %get3A_537 = arith.constant 0 : index
            %get3A_538 = tpu.vector_load %get3A_535[%get3A_536, %get3A_537] {strides = array<i32>} : memref<64x3xf32, #tpu.memory_space<vmem>>, vector<1x3xf32>,
            %get3A_539 = vector.shape_cast %get3A_538 : vector<1x3xf32> to vector<1x3xf32>
            %slice3A = vector.extract_strided_slice %get3A_539 {offsets = [0, 0], sizes = [1, 1], strides = [1, 1]} : vector<1x3xf32> to vector<1x1xf32>
            %squeeze3A = vector.extract %slice3A[0, 0] : f32 from vector<1x1xf32>
            %slice3A_540 = vector.extract_strided_slice %get3A_539 {offsets = [0, 0], sizes = [1, 1], strides = [1, 1]} : vector<1x3xf32> to vector<1x1xf32>
            %squeeze3A_541 = vector.extract %slice3A_540[0, 0] : f32 from vector<1x1xf32>
            %mul3A_542 = arith.mulf %squeeze3A, %squeeze3A_541 : f32
            %slice3A_543 = vector.extract_strided_slice %get3A_539 {offsets = [0, 1], sizes = [1, 1], strides = [1, 1]} : vector<1x3xf32> to vector<1x1xf32>
            %squeeze3A_544 = vector.extract %slice3A_543[0, 0] : f32 from vector<1x1xf32>
            %slice3A_545 = vector.extract_strided_slice %get3A_539 {offsets = [0, 1], sizes = [1, 1], strides = [1, 1]} : vector<1x3xf32> to vector<1x1xf32>
            %squeeze3A_546 = vector.extract %slice3A_545[0, 0] : f32 from vector<1x1xf32>
            %mul3A_547 = arith.mulf %squeeze3A_544, %squeeze3A_546 : f32
            %add3A_548 = arith.addf %mul3A_542, %mul3A_547 : f32
            %slice3A_549 = vector.extract_strided_slice %get3A_539 {offsets = [0, 2], sizes = [1, 1], strides = [1, 1]} : vector<1x3xf32> to vector<1x1xf32>
            %squeeze3A_550 = vector.extract %slice3A_549[0, 0] : f32 from vector<1x1xf32>
            %slice3A_551 = vector.extract_strided_slice %get3A_539 {offsets = [0, 2], sizes = [1, 1], strides = [1, 1]} : vector<1x3xf32> to vector<1x1xf32>
            %squeeze3A_552 = vector.extract %slice3A_551[0, 0] : f32 from vector<1x1xf32>
            %mul3A_553 = arith.mulf %squeeze3A_550, %squeeze3A_552 : f32
            %add3A_554 = arith.addf %add3A_548, %mul3A_553 : f32
            %mul3A_555 = vector.broadcast %add3A_554 : f32 to vector<1x16xf32>
            %mul3A_556 = arith.mulf %mul3A_523, %mul3A_555 : vector<1x16xf32>
            %slice3A_557 = vector.extract_strided_slice %mul3A_556 {offsets = [0, 0], sizes = [1, 1], strides = [1, 1]} : vector<1x16xf32> to vector<1x1xf32>
            %squeeze3A_558 = vector.extract %slice3A_557[0, 0] : f32 from vector<1x1xf32>
            %mul3A_559 = vector.broadcast %squeeze3A_558 : f32 to vector<1x16xf32>
            %mul3A_560 = arith.mulf %mul3A_523, %mul3A_559 : vector<1x16xf32>
            %swap3A_561 = arith.constant 0 : i32
            %swap3A_562 = arith.constant 0 : i32
            %swap3A_563 = tpu.memref_slice %run_scoped3A_22[%rem3A_362, %swap3A_561, %swap3A_562] : memref<2x64x272xf32, #tpu.memory_space<vmem>> -> memref<1x64x272xf32, #tpu.memory_space<vmem>>
            %swap3A_564 = tpu.memref_squeeze %swap3A_563 : memref<1x64x272xf32, #tpu.memory_space<vmem>> -> memref<64x272xf32, #tpu.memory_space<vmem>>
            %swap3A_565 = arith.index_cast %add3A_507 : i32 to index
            %swap3A_566 = arith.constant 16 : index
            %swap3A_567 = tpu.vector_load %swap3A_564[%swap3A_565, %swap3A_566] {strides = array<i32>} : memref<64x272xf32, #tpu.memory_space<vmem>>, vector<1x16xf32>,
            %swap3A_568 = vector.shape_cast %swap3A_567 : vector<1x16xf32> to vector<1x16xf32>
            %swap3A_569 = vector.shape_cast %mul3A_560 : vector<1x16xf32> to vector<1x16xf32>
            tpu.vector_store %swap3A_564[%swap3A_565, %swap3A_566], %swap3A_569 {strides = array<i32>} : memref<64x272xf32, #tpu.memory_space<vmem>>, vector<1x16xf32>,
            %slice3A_570 = vector.extract_strided_slice %mul3A_556 {offsets = [0, 1], sizes = [1, 1], strides = [1, 1]} : vector<1x16xf32> to vector<1x1xf32>
            %squeeze3A_571 = vector.extract %slice3A_570[0, 0] : f32 from vector<1x1xf32>
            %mul3A_572 = vector.broadcast %squeeze3A_571 : f32 to vector<1x16xf32>
            %mul3A_573 = arith.mulf %mul3A_523, %mul3A_572 : vector<1x16xf32>
            %swap3A_574 = arith.constant 0 : i32
            %swap3A_575 = arith.constant 0 : i32
            %swap3A_576 = tpu.memref_slice %run_scoped3A_22[%rem3A_362, %swap3A_574, %swap3A_575] : memref<2x64x272xf32, #tpu.memory_space<vmem>> -> memref<1x64x272xf32, #tpu.memory_space<vmem>>
            %swap3A_577 = tpu.memref_squeeze %swap3A_576 : memref<1x64x272xf32, #tpu.memory_space<vmem>> -> memref<64x272xf32, #tpu.memory_space<vmem>>
            %swap3A_578 = arith.index_cast %add3A_507 : i32 to index
            %swap3A_579 = arith.constant 32 : index
            %swap3A_580 = tpu.vector_load %swap3A_577[%swap3A_578, %swap3A_579] {strides = array<i32>} : memref<64x272xf32, #tpu.memory_space<vmem>>, vector<1x16xf32>,
            %swap3A_581 = vector.shape_cast %swap3A_580 : vector<1x16xf32> to vector<1x16xf32>
            %swap3A_582 = vector.shape_cast %mul3A_573 : vector<1x16xf32> to vector<1x16xf32>
            tpu.vector_store %swap3A_577[%swap3A_578, %swap3A_579], %swap3A_582 {strides = array<i32>} : memref<64x272xf32, #tpu.memory_space<vmem>>, vector<1x16xf32>,
            %slice3A_583 = vector.extract_strided_slice %mul3A_556 {offsets = [0, 2], sizes = [1, 1], strides = [1, 1]} : vector<1x16xf32> to vector<1x1xf32>
            %squeeze3A_584 = vector.extract %slice3A_583[0, 0] : f32 from vector<1x1xf32>
            %mul3A_585 = vector.broadcast %squeeze3A_584 : f32 to vector<1x16xf32>
            %mul3A_586 = arith.mulf %mul3A_523, %mul3A_585 : vector<1x16xf32>
            %swap3A_587 = arith.constant 0 : i32
            %swap3A_588 = arith.constant 0 : i32
            %swap3A_589 = tpu.memref_slice %run_scoped3A_22[%rem3A_362, %swap3A_587, %swap3A_588] : memref<2x64x272xf32, #tpu.memory_space<vmem>> -> memref<1x64x272xf32, #tpu.memory_space<vmem>>
            %swap3A_590 = tpu.memref_squeeze %swap3A_589 : memref<1x64x272xf32, #tpu.memory_space<vmem>> -> memref<64x272xf32, #tpu.memory_space<vmem>>
            %swap3A_591 = arith.index_cast %add3A_507 : i32 to index
            %swap3A_592 = arith.constant 48 : index
            %swap3A_593 = tpu.vector_load %swap3A_590[%swap3A_591, %swap3A_592] {strides = array<i32>} : memref<64x272xf32, #tpu.memory_space<vmem>>, vector<1x16xf32>,
            %swap3A_594 = vector.shape_cast %swap3A_593 : vector<1x16xf32> to vector<1x16xf32>
            %swap3A_595 = vector.shape_cast %mul3A_586 : vector<1x16xf32> to vector<1x16xf32>
            tpu.vector_store %swap3A_590[%swap3A_591, %swap3A_592], %swap3A_595 {strides = array<i32>} : memref<64x272xf32, #tpu.memory_space<vmem>>, vector<1x16xf32>,
            %slice3A_596 = vector.extract_strided_slice %mul3A_556 {offsets = [0, 3], sizes = [1, 1], strides = [1, 1]} : vector<1x16xf32> to vector<1x1xf32>
            %squeeze3A_597 = vector.extract %slice3A_596[0, 0] : f32 from vector<1x1xf32>
            %mul3A_598 = vector.broadcast %squeeze3A_597 : f32 to vector<1x16xf32>
            %mul3A_599 = arith.mulf %mul3A_523, %mul3A_598 : vector<1x16xf32>
            %swap3A_600 = arith.constant 0 : i32
            %swap3A_601 = arith.constant 0 : i32
            %swap3A_602 = tpu.memref_slice %run_scoped3A_22[%rem3A_362, %swap3A_600, %swap3A_601] : memref<2x64x272xf32, #tpu.memory_space<vmem>> -> memref<1x64x272xf32, #tpu.memory_space<vmem>>
            %swap3A_603 = tpu.memref_squeeze %swap3A_602 : memref<1x64x272xf32, #tpu.memory_space<vmem>> -> memref<64x272xf32, #tpu.memory_space<vmem>>
            %swap3A_604 = arith.index_cast %add3A_507 : i32 to index
            %swap3A_605 = arith.constant 64 : index
            %swap3A_606 = tpu.vector_load %swap3A_603[%swap3A_604, %swap3A_605] {strides = array<i32>} : memref<64x272xf32, #tpu.memory_space<vmem>>, vector<1x16xf32>,
            %swap3A_607 = vector.shape_cast %swap3A_606 : vector<1x16xf32> to vector<1x16xf32>
            %swap3A_608 = vector.shape_cast %mul3A_599 : vector<1x16xf32> to vector<1x16xf32>
            tpu.vector_store %swap3A_603[%swap3A_604, %swap3A_605], %swap3A_608 {strides = array<i32>} : memref<64x272xf32, #tpu.memory_space<vmem>>, vector<1x16xf32>,
            %slice3A_609 = vector.extract_strided_slice %mul3A_556 {offsets = [0, 4], sizes = [1, 1], strides = [1, 1]} : vector<1x16xf32> to vector<1x1xf32>
            %squeeze3A_610 = vector.extract %slice3A_609[0, 0] : f32 from vector<1x1xf32>
            %mul3A_611 = vector.broadcast %squeeze3A_610 : f32 to vector<1x16xf32>
            %mul3A_612 = arith.mulf %mul3A_523, %mul3A_611 : vector<1x16xf32>
            %swap3A_613 = arith.constant 0 : i32
            %swap3A_614 = arith.constant 0 : i32
            %swap3A_615 = tpu.memref_slice %run_scoped3A_22[%rem3A_362, %swap3A_613, %swap3A_614] : memref<2x64x272xf32, #tpu.memory_space<vmem>> -> memref<1x64x272xf32, #tpu.memory_space<vmem>>
            %swap3A_616 = tpu.memref_squeeze %swap3A_615 : memref<1x64x272xf32, #tpu.memory_space<vmem>> -> memref<64x272xf32, #tpu.memory_space<vmem>>
            %swap3A_617 = arith.index_cast %add3A_507 : i32 to index
            %swap3A_618 = arith.constant 80 : index
            %swap3A_619 = tpu.vector_load %swap3A_616[%swap3A_617, %swap3A_618] {strides = array<i32>} : memref<64x272xf32, #tpu.memory_space<vmem>>, vector<1x16xf32>,
            %swap3A_620 = vector.shape_cast %swap3A_619 : vector<1x16xf32> to vector<1x16xf32>
            %swap3A_621 = vector.shape_cast %mul3A_612 : vector<1x16xf32> to vector<1x16xf32>
            tpu.vector_store %swap3A_616[%swap3A_617, %swap3A_618], %swap3A_621 {strides = array<i32>} : memref<64x272xf32, #tpu.memory_space<vmem>>, vector<1x16xf32>,
            %slice3A_622 = vector.extract_strided_slice %mul3A_556 {offsets = [0, 5], sizes = [1, 1], strides = [1, 1]} : vector<1x16xf32> to vector<1x1xf32>
            %squeeze3A_623 = vector.extract %slice3A_622[0, 0] : f32 from vector<1x1xf32>
            %mul3A_624 = vector.broadcast %squeeze3A_623 : f32 to vector<1x16xf32>
            %mul3A_625 = arith.mulf %mul3A_523, %mul3A_624 : vector<1x16xf32>
            %swap3A_626 = arith.constant 0 : i32
            %swap3A_627 = arith.constant 0 : i32
            %swap3A_628 = tpu.memref_slice %run_scoped3A_22[%rem3A_362, %swap3A_626, %swap3A_627] : memref<2x64x272xf32, #tpu.memory_space<vmem>> -> memref<1x64x272xf32, #tpu.memory_space<vmem>>
            %swap3A_629 = tpu.memref_squeeze %swap3A_628 : memref<1x64x272xf32, #tpu.memory_space<vmem>> -> memref<64x272xf32, #tpu.memory_space<vmem>>
            %swap3A_630 = arith.index_cast %add3A_507 : i32 to index
            %swap3A_631 = arith.constant 96 : index
            %swap3A_632 = tpu.vector_load %swap3A_629[%swap3A_630, %swap3A_631] {strides = array<i32>} : memref<64x272xf32, #tpu.memory_space<vmem>>, vector<1x16xf32>,
            %swap3A_633 = vector.shape_cast %swap3A_632 : vector<1x16xf32> to vector<1x16xf32>
            %swap3A_634 = vector.shape_cast %mul3A_625 : vector<1x16xf32> to vector<1x16xf32>
            tpu.vector_store %swap3A_629[%swap3A_630, %swap3A_631], %swap3A_634 {strides = array<i32>} : memref<64x272xf32, #tpu.memory_space<vmem>>, vector<1x16xf32>,
            %slice3A_635 = vector.extract_strided_slice %mul3A_556 {offsets = [0, 6], sizes = [1, 1], strides = [1, 1]} : vector<1x16xf32> to vector<1x1xf32>
            %squeeze3A_636 = vector.extract %slice3A_635[0, 0] : f32 from vector<1x1xf32>
            %mul3A_637 = vector.broadcast %squeeze3A_636 : f32 to vector<1x16xf32>
            %mul3A_638 = arith.mulf %mul3A_523, %mul3A_637 : vector<1x16xf32>
            %swap3A_639 = arith.constant 0 : i32
            %swap3A_640 = arith.constant 0 : i32
            %swap3A_641 = tpu.memref_slice %run_scoped3A_22[%rem3A_362, %swap3A_639, %swap3A_640] : memref<2x64x272xf32, #tpu.memory_space<vmem>> -> memref<1x64x272xf32, #tpu.memory_space<vmem>>
            %swap3A_642 = tpu.memref_squeeze %swap3A_641 : memref<1x64x272xf32, #tpu.memory_space<vmem>> -> memref<64x272xf32, #tpu.memory_space<vmem>>
            %swap3A_643 = arith.index_cast %add3A_507 : i32 to index
            %swap3A_644 = arith.constant 112 : index
            %swap3A_645 = tpu.vector_load %swap3A_642[%swap3A_643, %swap3A_644] {strides = array<i32>} : memref<64x272xf32, #tpu.memory_space<vmem>>, vector<1x16xf32>,
            %swap3A_646 = vector.shape_cast %swap3A_645 : vector<1x16xf32> to vector<1x16xf32>
            %swap3A_647 = vector.shape_cast %mul3A_638 : vector<1x16xf32> to vector<1x16xf32>
            tpu.vector_store %swap3A_642[%swap3A_643, %swap3A_644], %swap3A_647 {strides = array<i32>} : memref<64x272xf32, #tpu.memory_space<vmem>>, vector<1x16xf32>,
            %slice3A_648 = vector.extract_strided_slice %mul3A_556 {offsets = [0, 7], sizes = [1, 1], strides = [1, 1]} : vector<1x16xf32> to vector<1x1xf32>
            %squeeze3A_649 = vector.extract %slice3A_648[0, 0] : f32 from vector<1x1xf32>
            %mul3A_650 = vector.broadcast %squeeze3A_649 : f32 to vector<1x16xf32>
            %mul3A_651 = arith.mulf %mul3A_523, %mul3A_650 : vector<1x16xf32>
            %swap3A_652 = arith.constant 0 : i32
            %swap3A_653 = arith.constant 0 : i32
            %swap3A_654 = tpu.memref_slice %run_scoped3A_22[%rem3A_362, %swap3A_652, %swap3A_653] : memref<2x64x272xf32, #tpu.memory_space<vmem>> -> memref<1x64x272xf32, #tpu.memory_space<vmem>>
            %swap3A_655 = tpu.memref_squeeze %swap3A_654 : memref<1x64x272xf32, #tpu.memory_space<vmem>> -> memref<64x272xf32, #tpu.memory_space<vmem>>
            %swap3A_656 = arith.index_cast %add3A_507 : i32 to index
            %swap3A_657 = arith.constant 128 : index
            %swap3A_658 = tpu.vector_load %swap3A_655[%swap3A_656, %swap3A_657] {strides = array<i32>} : memref<64x272xf32, #tpu.memory_space<vmem>>, vector<1x16xf32>,
            %swap3A_659 = vector.shape_cast %swap3A_658 : vector<1x16xf32> to vector<1x16xf32>
            %swap3A_660 = vector.shape_cast %mul3A_651 : vector<1x16xf32> to vector<1x16xf32>
            tpu.vector_store %swap3A_655[%swap3A_656, %swap3A_657], %swap3A_660 {strides = array<i32>} : memref<64x272xf32, #tpu.memory_space<vmem>>, vector<1x16xf32>,
            %slice3A_661 = vector.extract_strided_slice %mul3A_556 {offsets = [0, 8], sizes = [1, 1], strides = [1, 1]} : vector<1x16xf32> to vector<1x1xf32>
            %squeeze3A_662 = vector.extract %slice3A_661[0, 0] : f32 from vector<1x1xf32>
            %mul3A_663 = vector.broadcast %squeeze3A_662 : f32 to vector<1x16xf32>
            %mul3A_664 = arith.mulf %mul3A_523, %mul3A_663 : vector<1x16xf32>
            %swap3A_665 = arith.constant 0 : i32
            %swap3A_666 = arith.constant 0 : i32
            %swap3A_667 = tpu.memref_slice %run_scoped3A_22[%rem3A_362, %swap3A_665, %swap3A_666] : memref<2x64x272xf32, #tpu.memory_space<vmem>> -> memref<1x64x272xf32, #tpu.memory_space<vmem>>
            %swap3A_668 = tpu.memref_squeeze %swap3A_667 : memref<1x64x272xf32, #tpu.memory_space<vmem>> -> memref<64x272xf32, #tpu.memory_space<vmem>>
            %swap3A_669 = arith.index_cast %add3A_507 : i32 to index
            %swap3A_670 = arith.constant 144 : index
            %swap3A_671 = tpu.vector_load %swap3A_668[%swap3A_669, %swap3A_670] {strides = array<i32>} : memref<64x272xf32, #tpu.memory_space<vmem>>, vector<1x16xf32>,
            %swap3A_672 = vector.shape_cast %swap3A_671 : vector<1x16xf32> to vector<1x16xf32>
            %swap3A_673 = vector.shape_cast %mul3A_664 : vector<1x16xf32> to vector<1x16xf32>
            tpu.vector_store %swap3A_668[%swap3A_669, %swap3A_670], %swap3A_673 {strides = array<i32>} : memref<64x272xf32, #tpu.memory_space<vmem>>, vector<1x16xf32>,
            %slice3A_674 = vector.extract_strided_slice %mul3A_556 {offsets = [0, 9], sizes = [1, 1], strides = [1, 1]} : vector<1x16xf32> to vector<1x1xf32>
            %squeeze3A_675 = vector.extract %slice3A_674[0, 0] : f32 from vector<1x1xf32>
            %mul3A_676 = vector.broadcast %squeeze3A_675 : f32 to vector<1x16xf32>
            %mul3A_677 = arith.mulf %mul3A_523, %mul3A_676 : vector<1x16xf32>
            %swap3A_678 = arith.constant 0 : i32
            %swap3A_679 = arith.constant 0 : i32
            %swap3A_680 = tpu.memref_slice %run_scoped3A_22[%rem3A_362, %swap3A_678, %swap3A_679] : memref<2x64x272xf32, #tpu.memory_space<vmem>> -> memref<1x64x272xf32, #tpu.memory_space<vmem>>
            %swap3A_681 = tpu.memref_squeeze %swap3A_680 : memref<1x64x272xf32, #tpu.memory_space<vmem>> -> memref<64x272xf32, #tpu.memory_space<vmem>>
            %swap3A_682 = arith.index_cast %add3A_507 : i32 to index
            %swap3A_683 = arith.constant 160 : index
            %swap3A_684 = tpu.vector_load %swap3A_681[%swap3A_682, %swap3A_683] {strides = array<i32>} : memref<64x272xf32, #tpu.memory_space<vmem>>, vector<1x16xf32>,
            %swap3A_685 = vector.shape_cast %swap3A_684 : vector<1x16xf32> to vector<1x16xf32>
            %swap3A_686 = vector.shape_cast %mul3A_677 : vector<1x16xf32> to vector<1x16xf32>
            tpu.vector_store %swap3A_681[%swap3A_682, %swap3A_683], %swap3A_686 {strides = array<i32>} : memref<64x272xf32, #tpu.memory_space<vmem>>, vector<1x16xf32>,
            %slice3A_687 = vector.extract_strided_slice %mul3A_556 {offsets = [0, 10], sizes = [1, 1], strides = [1, 1]} : vector<1x16xf32> to vector<1x1xf32>
            %squeeze3A_688 = vector.extract %slice3A_687[0, 0] : f32 from vector<1x1xf32>
            %mul3A_689 = vector.broadcast %squeeze3A_688 : f32 to vector<1x16xf32>
            %mul3A_690 = arith.mulf %mul3A_523, %mul3A_689 : vector<1x16xf32>
            %swap3A_691 = arith.constant 0 : i32
            %swap3A_692 = arith.constant 0 : i32
            %swap3A_693 = tpu.memref_slice %run_scoped3A_22[%rem3A_362, %swap3A_691, %swap3A_692] : memref<2x64x272xf32, #tpu.memory_space<vmem>> -> memref<1x64x272xf32, #tpu.memory_space<vmem>>
            %swap3A_694 = tpu.memref_squeeze %swap3A_693 : memref<1x64x272xf32, #tpu.memory_space<vmem>> -> memref<64x272xf32, #tpu.memory_space<vmem>>
            %swap3A_695 = arith.index_cast %add3A_507 : i32 to index
            %swap3A_696 = arith.constant 176 : index
            %swap3A_697 = tpu.vector_load %swap3A_694[%swap3A_695, %swap3A_696] {strides = array<i32>} : memref<64x272xf32, #tpu.memory_space<vmem>>, vector<1x16xf32>,
            %swap3A_698 = vector.shape_cast %swap3A_697 : vector<1x16xf32> to vector<1x16xf32>
            %swap3A_699 = vector.shape_cast %mul3A_690 : vector<1x16xf32> to vector<1x16xf32>
            tpu.vector_store %swap3A_694[%swap3A_695, %swap3A_696], %swap3A_699 {strides = array<i32>} : memref<64x272xf32, #tpu.memory_space<vmem>>, vector<1x16xf32>,
            %slice3A_700 = vector.extract_strided_slice %mul3A_556 {offsets = [0, 11], sizes = [1, 1], strides = [1, 1]} : vector<1x16xf32> to vector<1x1xf32>
            %squeeze3A_701 = vector.extract %slice3A_700[0, 0] : f32 from vector<1x1xf32>
            %mul3A_702 = vector.broadcast %squeeze3A_701 : f32 to vector<1x16xf32>
            %mul3A_703 = arith.mulf %mul3A_523, %mul3A_702 : vector<1x16xf32>
            %swap3A_704 = arith.constant 0 : i32
            %swap3A_705 = arith.constant 0 : i32
            %swap3A_706 = tpu.memref_slice %run_scoped3A_22[%rem3A_362, %swap3A_704, %swap3A_705] : memref<2x64x272xf32, #tpu.memory_space<vmem>> -> memref<1x64x272xf32, #tpu.memory_space<vmem>>
            %swap3A_707 = tpu.memref_squeeze %swap3A_706 : memref<1x64x272xf32, #tpu.memory_space<vmem>> -> memref<64x272xf32, #tpu.memory_space<vmem>>
            %swap3A_708 = arith.index_cast %add3A_507 : i32 to index
            %swap3A_709 = arith.constant 192 : index
            %swap3A_710 = tpu.vector_load %swap3A_707[%swap3A_708, %swap3A_709] {strides = array<i32>} : memref<64x272xf32, #tpu.memory_space<vmem>>, vector<1x16xf32>,
            %swap3A_711 = vector.shape_cast %swap3A_710 : vector<1x16xf32> to vector<1x16xf32>
            %swap3A_712 = vector.shape_cast %mul3A_703 : vector<1x16xf32> to vector<1x16xf32>
            tpu.vector_store %swap3A_707[%swap3A_708, %swap3A_709], %swap3A_712 {strides = array<i32>} : memref<64x272xf32, #tpu.memory_space<vmem>>, vector<1x16xf32>,
            %slice3A_713 = vector.extract_strided_slice %mul3A_556 {offsets = [0, 12], sizes = [1, 1], strides = [1, 1]} : vector<1x16xf32> to vector<1x1xf32>
            %squeeze3A_714 = vector.extract %slice3A_713[0, 0] : f32 from vector<1x1xf32>
            %mul3A_715 = vector.broadcast %squeeze3A_714 : f32 to vector<1x16xf32>
            %mul3A_716 = arith.mulf %mul3A_523, %mul3A_715 : vector<1x16xf32>
            %swap3A_717 = arith.constant 0 : i32
            %swap3A_718 = arith.constant 0 : i32
            %swap3A_719 = tpu.memref_slice %run_scoped3A_22[%rem3A_362, %swap3A_717, %swap3A_718] : memref<2x64x272xf32, #tpu.memory_space<vmem>> -> memref<1x64x272xf32, #tpu.memory_space<vmem>>
            %swap3A_720 = tpu.memref_squeeze %swap3A_719 : memref<1x64x272xf32, #tpu.memory_space<vmem>> -> memref<64x272xf32, #tpu.memory_space<vmem>>
            %swap3A_721 = arith.index_cast %add3A_507 : i32 to index
            %swap3A_722 = arith.constant 208 : index
            %swap3A_723 = tpu.vector_load %swap3A_720[%swap3A_721, %swap3A_722] {strides = array<i32>} : memref<64x272xf32, #tpu.memory_space<vmem>>, vector<1x16xf32>,
            %swap3A_724 = vector.shape_cast %swap3A_723 : vector<1x16xf32> to vector<1x16xf32>
            %swap3A_725 = vector.shape_cast %mul3A_716 : vector<1x16xf32> to vector<1x16xf32>
            tpu.vector_store %swap3A_720[%swap3A_721, %swap3A_722], %swap3A_725 {strides = array<i32>} : memref<64x272xf32, #tpu.memory_space<vmem>>, vector<1x16xf32>,
            %slice3A_726 = vector.extract_strided_slice %mul3A_556 {offsets = [0, 13], sizes = [1, 1], strides = [1, 1]} : vector<1x16xf32> to vector<1x1xf32>
            %squeeze3A_727 = vector.extract %slice3A_726[0, 0] : f32 from vector<1x1xf32>
            %mul3A_728 = vector.broadcast %squeeze3A_727 : f32 to vector<1x16xf32>
            %mul3A_729 = arith.mulf %mul3A_523, %mul3A_728 : vector<1x16xf32>
            %swap3A_730 = arith.constant 0 : i32
            %swap3A_731 = arith.constant 0 : i32
            %swap3A_732 = tpu.memref_slice %run_scoped3A_22[%rem3A_362, %swap3A_730, %swap3A_731] : memref<2x64x272xf32, #tpu.memory_space<vmem>> -> memref<1x64x272xf32, #tpu.memory_space<vmem>>
            %swap3A_733 = tpu.memref_squeeze %swap3A_732 : memref<1x64x272xf32, #tpu.memory_space<vmem>> -> memref<64x272xf32, #tpu.memory_space<vmem>>
            %swap3A_734 = arith.index_cast %add3A_507 : i32 to index
            %swap3A_735 = arith.constant 224 : index
            %swap3A_736 = tpu.vector_load %swap3A_733[%swap3A_734, %swap3A_735] {strides = array<i32>} : memref<64x272xf32, #tpu.memory_space<vmem>>, vector<1x16xf32>,
            %swap3A_737 = vector.shape_cast %swap3A_736 : vector<1x16xf32> to vector<1x16xf32>
            %swap3A_738 = vector.shape_cast %mul3A_729 : vector<1x16xf32> to vector<1x16xf32>
            tpu.vector_store %swap3A_733[%swap3A_734, %swap3A_735], %swap3A_738 {strides = array<i32>} : memref<64x272xf32, #tpu.memory_space<vmem>>, vector<1x16xf32>,
            %slice3A_739 = vector.extract_strided_slice %mul3A_556 {offsets = [0, 14], sizes = [1, 1], strides = [1, 1]} : vector<1x16xf32> to vector<1x1xf32>
            %squeeze3A_740 = vector.extract %slice3A_739[0, 0] : f32 from vector<1x1xf32>
            %mul3A_741 = vector.broadcast %squeeze3A_740 : f32 to vector<1x16xf32>
            %mul3A_742 = arith.mulf %mul3A_523, %mul3A_741 : vector<1x16xf32>
            %swap3A_743 = arith.constant 0 : i32
            %swap3A_744 = arith.constant 0 : i32
            %swap3A_745 = tpu.memref_slice %run_scoped3A_22[%rem3A_362, %swap3A_743, %swap3A_744] : memref<2x64x272xf32, #tpu.memory_space<vmem>> -> memref<1x64x272xf32, #tpu.memory_space<vmem>>
            %swap3A_746 = tpu.memref_squeeze %swap3A_745 : memref<1x64x272xf32, #tpu.memory_space<vmem>> -> memref<64x272xf32, #tpu.memory_space<vmem>>
            %swap3A_747 = arith.index_cast %add3A_507 : i32 to index
            %swap3A_748 = arith.constant 240 : index
            %swap3A_749 = tpu.vector_load %swap3A_746[%swap3A_747, %swap3A_748] {strides = array<i32>} : memref<64x272xf32, #tpu.memory_space<vmem>>, vector<1x16xf32>,
            %swap3A_750 = vector.shape_cast %swap3A_749 : vector<1x16xf32> to vector<1x16xf32>
            %swap3A_751 = vector.shape_cast %mul3A_742 : vector<1x16xf32> to vector<1x16xf32>
            tpu.vector_store %swap3A_746[%swap3A_747, %swap3A_748], %swap3A_751 {strides = array<i32>} : memref<64x272xf32, #tpu.memory_space<vmem>>, vector<1x16xf32>,
            %slice3A_752 = vector.extract_strided_slice %mul3A_556 {offsets = [0, 15], sizes = [1, 1], strides = [1, 1]} : vector<1x16xf32> to vector<1x1xf32>
            %squeeze3A_753 = vector.extract %slice3A_752[0, 0] : f32 from vector<1x1xf32>
            %mul3A_754 = vector.broadcast %squeeze3A_753 : f32 to vector<1x16xf32>
            %mul3A_755 = arith.mulf %mul3A_523, %mul3A_754 : vector<1x16xf32>
            %swap3A_756 = arith.constant 0 : i32
            %swap3A_757 = arith.constant 0 : i32
            %swap3A_758 = tpu.memref_slice %run_scoped3A_22[%rem3A_362, %swap3A_756, %swap3A_757] : memref<2x64x272xf32, #tpu.memory_space<vmem>> -> memref<1x64x272xf32, #tpu.memory_space<vmem>>
            %swap3A_759 = tpu.memref_squeeze %swap3A_758 : memref<1x64x272xf32, #tpu.memory_space<vmem>> -> memref<64x272xf32, #tpu.memory_space<vmem>>
            %swap3A_760 = arith.index_cast %add3A_507 : i32 to index
            %swap3A_761 = arith.constant 256 : index
            %swap3A_762 = tpu.vector_load %swap3A_759[%swap3A_760, %swap3A_761] {strides = array<i32>} : memref<64x272xf32, #tpu.memory_space<vmem>>, vector<1x16xf32>,
            %swap3A_763 = vector.shape_cast %swap3A_762 : vector<1x16xf32> to vector<1x16xf32>
            %swap3A_764 = vector.shape_cast %mul3A_755 : vector<1x16xf32> to vector<1x16xf32>
            tpu.vector_store %swap3A_759[%swap3A_760, %swap3A_761], %swap3A_764 {strides = array<i32>} : memref<64x272xf32, #tpu.memory_space<vmem>>, vector<1x16xf32>,
          }
          %scan3A_366 = arith.constant 64 : i32
          "tpu.trace_stop"() : () -> ()
          %ne3A_367 = arith.cmpi ne, %add3A_221, %add3A_239 : i32
          %or3A_368 = arith.constant false
          %or3A_369 = arith.ori %or3A_368, %ne3A_367 : i1
          %or3A_370 = arith.constant false
          %or3A_371 = arith.ori %or3A_369, %or3A_370 : i1
          %or3A_372 = arith.ori %or3A_371, %eq3A_220 : i1
          %convert_element_type3A_373 = arith.extui %or3A_372 : i1 to i32
          %cond3A_374 = arith.constant 0 : i32
          %cond3A_375 = arith.cmpi ne, %convert_element_type3A_373, %cond3A_374 : i32
          scf.if %cond3A_375 {
          } else {
          }
          %and3A_376 = arith.constant false
          %and3A_377 = arith.andi %or3A_372, %and3A_376 : i1
          %ne3A_378 = arith.cmpi ne, %add3A_221, %add3A_239 : i32
          %or3A_379 = arith.constant false
          %or3A_380 = arith.ori %or3A_379, %ne3A_378 : i1
          %or3A_381 = arith.constant false
          %or3A_382 = arith.ori %or3A_380, %or3A_381 : i1
          %or3A_383 = arith.ori %or3A_382, %eq3A_220 : i1
          %convert_element_type3A_384 = arith.extui %or3A_383 : i1 to i32
          %cond3A_385 = arith.constant 0 : i32
          %cond3A_386 = arith.cmpi ne, %convert_element_type3A_384, %cond3A_385 : i32
          scf.if %cond3A_386 {
          } else {
          }
          %and3A_387 = arith.constant false
          %and3A_388 = arith.andi %or3A_383, %and3A_387 : i1
          %ne3A_389 = arith.cmpi ne, %add3A_221, %add3A_239 : i32
          %or3A_390 = arith.constant false
          %or3A_391 = arith.ori %or3A_390, %ne3A_389 : i1
          %or3A_392 = arith.constant false
          %or3A_393 = arith.ori %or3A_391, %or3A_392 : i1
          %or3A_394 = arith.ori %or3A_393, %eq3A_220 : i1
          %convert_element_type3A_395 = arith.extui %or3A_394 : i1 to i32
          %cond3A_396 = arith.constant 0 : i32
          %cond3A_397 = arith.cmpi ne, %convert_element_type3A_395, %cond3A_396 : i32
          scf.if %cond3A_397 {
          } else {
          }
          %and3A_398 = arith.constant false
          %and3A_399 = arith.andi %or3A_394, %and3A_398 : i1
          %ne3A_400 = arith.cmpi ne, %add3A_221, %add3A_239 : i32
          %or3A_401 = arith.constant false
          %or3A_402 = arith.ori %or3A_401, %ne3A_400 : i1
          %or3A_403 = arith.constant false
          %or3A_404 = arith.ori %or3A_402, %or3A_403 : i1
          %or3A_405 = arith.ori %or3A_404, %eq3A_220 : i1
          %convert_element_type3A_406 = arith.extui %or3A_405 : i1 to i32
          %cond3A_407 = arith.constant 0 : i32
          %cond3A_408 = arith.cmpi ne, %convert_element_type3A_406, %cond3A_407 : i32
          scf.if %cond3A_408 {
            "tpu.trace_start"() <{level = 10 : i32, message = "ep_copy_out"}> : () -> ()
            %rem3A_503 = arith.constant 2 : i32
            %rem3A_504 = arith.remui %while3A_211, %rem3A_503 : i32
            %mul3A_505 = arith.constant 64 : i32
            %mul3A_506 = arith.muli %mul3A_505, %add3A_221 : i32
            %dma_start3A_507 = arith.constant 0 : i32
            %dma_start3A_508 = arith.constant 0 : i32
            %dma_start3A_509 = tpu.memref_slice %run_scoped3A_22[%rem3A_504, %dma_start3A_507, %dma_start3A_508] : memref<2x64x272xf32, #tpu.memory_space<vmem>> -> memref<1x64x272xf32, #tpu.memory_space<vmem>>
            %dma_start3A_510 = tpu.memref_squeeze %dma_start3A_509 : memref<1x64x272xf32, #tpu.memory_space<vmem>> -> memref<64x272xf32, #tpu.memory_space<vmem>>
            %dma_start3A_511 = arith.constant 0 : i32
            %dma_start3A_512 = tpu.memref_slice %arg5[%mul3A_506, %dma_start3A_511] : memref<160000x272xf32, #tpu.memory_space<hbm>> -> memref<64x272xf32, #tpu.memory_space<hbm>>
            %dma_start3A_513 = tpu.memref_slice %run_scoped3A_23[%rem3A_504] : memref<2x!tpu.dma_semaphore, #tpu.memory_space<semaphore_mem>> -> memref<1x!tpu.dma_semaphore, #tpu.memory_space<semaphore_mem>>
            %dma_start3A_514 = tpu.memref_squeeze %dma_start3A_513 : memref<1x!tpu.dma_semaphore, #tpu.memory_space<semaphore_mem>> -> memref<!tpu.dma_semaphore, #tpu.memory_space<semaphore_mem>>
            %dma_start3A_515 = arith.constant 0 : i32
            %dma_start3A_516 = tpu.memref_slice %arg5[%mul3A_506, %dma_start3A_515] : memref<160000x272xf32, #tpu.memory_space<hbm>> -> memref<64x272xf32, #tpu.memory_space<hbm>>
            %dma_start3A_517 = arith.constant 0 : i32
            %dma_start3A_518 = arith.constant 0 : i32
            %dma_start3A_519 = tpu.memref_slice %run_scoped3A_22[%rem3A_504, %dma_start3A_517, %dma_start3A_518] : memref<2x64x272xf32, #tpu.memory_space<vmem>> -> memref<1x64x272xf32, #tpu.memory_space<vmem>>
            %dma_start3A_520 = tpu.memref_squeeze %dma_start3A_519 : memref<1x64x272xf32, #tpu.memory_space<vmem>> -> memref<64x272xf32, #tpu.memory_space<vmem>>
            tpu.enqueue_dma source(%dma_start3A_520 : memref<64x272xf32, #tpu.memory_space<vmem>>) target(%dma_start3A_516 : memref<64x272xf32, #tpu.memory_space<hbm>>) target_semaphore(%dma_start3A_514 : memref<!tpu.dma_semaphore, #tpu.memory_space<semaphore_mem>>)
            "tpu.trace_stop"() : () -> ()
          } else {
          }
          %and3A_409 = arith.constant true
          %and3A_410 = arith.andi %or3A_405, %and3A_409 : i1
          %add3A_411 = arith.constant 1 : i32
          %add3A_412 = arith.addi %while3A_211, %add3A_411 : i32
          %select_n3A_413 = arith.select %and3A_410, %add3A_412, %while3A_211 : i32
          %ne3A_414 = arith.cmpi ne, %add3A_221, %add3A_231 : i32
          %or3A_415 = arith.constant false
          %or3A_416 = arith.ori %or3A_415, %ne3A_414 : i1
          %or3A_417 = arith.constant false
          %or3A_418 = arith.ori %or3A_416, %or3A_417 : i1
          %not3A_419 = arith.constant true
          %not3A_420 = arith.xori %eq3A_217, %not3A_419 : i1
          %and3A_421 = arith.andi %or3A_418, %not3A_420 : i1
          %convert_element_type3A_422 = arith.extui %and3A_421 : i1 to i32
          %cond3A_423 = arith.constant 0 : i32
          %cond3A_424 = arith.cmpi ne, %convert_element_type3A_422, %cond3A_423 : i32
          scf.if %cond3A_424 {
          } else {
          }
          %and3A_425 = arith.constant false
          %and3A_426 = arith.andi %and3A_421, %and3A_425 : i1
          %ne3A_427 = arith.cmpi ne, %add3A_221, %add3A_231 : i32
          %or3A_428 = arith.constant false
          %or3A_429 = arith.ori %or3A_428, %ne3A_427 : i1
          %or3A_430 = arith.constant false
          %or3A_431 = arith.ori %or3A_429, %or3A_430 : i1
          %not3A_432 = arith.constant true
          %not3A_433 = arith.xori %eq3A_217, %not3A_432 : i1
          %and3A_434 = arith.andi %or3A_431, %not3A_433 : i1
          %convert_element_type3A_435 = arith.extui %and3A_434 : i1 to i32
          %cond3A_436 = arith.constant 0 : i32
          %cond3A_437 = arith.cmpi ne, %convert_element_type3A_435, %cond3A_436 : i32
          scf.if %cond3A_437 {
          } else {
          }
          %and3A_438 = arith.constant false
          %and3A_439 = arith.andi %and3A_434, %and3A_438 : i1
          %ne3A_440 = arith.cmpi ne, %add3A_221, %add3A_231 : i32
          %or3A_441 = arith.constant false
          %or3A_442 = arith.ori %or3A_441, %ne3A_440 : i1
          %or3A_443 = arith.constant false
          %or3A_444 = arith.ori %or3A_442, %or3A_443 : i1
          %not3A_445 = arith.constant true
          %not3A_446 = arith.xori %eq3A_217, %not3A_445 : i1
          %and3A_447 = arith.andi %or3A_444, %not3A_446 : i1
          %convert_element_type3A_448 = arith.extui %and3A_447 : i1 to i32
          %cond3A_449 = arith.constant 0 : i32
          %cond3A_450 = arith.cmpi ne, %convert_element_type3A_448, %cond3A_449 : i32
          scf.if %cond3A_450 {
          } else {
          }
          %and3A_451 = arith.constant false
          %and3A_452 = arith.andi %and3A_447, %and3A_451 : i1
          %ne3A_453 = arith.cmpi ne, %add3A_221, %add3A_231 : i32
          %or3A_454 = arith.constant false
          %or3A_455 = arith.ori %or3A_454, %ne3A_453 : i1
          %or3A_456 = arith.constant false
          %or3A_457 = arith.ori %or3A_455, %or3A_456 : i1
          %not3A_458 = arith.constant true
          %not3A_459 = arith.xori %eq3A_217, %not3A_458 : i1
          %and3A_460 = arith.andi %or3A_457, %not3A_459 : i1
          %convert_element_type3A_461 = arith.extui %and3A_460 : i1 to i32
          %cond3A_462 = arith.constant 0 : i32
          %cond3A_463 = arith.cmpi ne, %convert_element_type3A_461, %cond3A_462 : i32
          scf.if %cond3A_463 {
            "tpu.trace_start"() <{level = 10 : i32, message = "ep_wait_out"}> : () -> ()
            %rem3A_503 = arith.constant 2 : i32
            %rem3A_504 = arith.remui %while3A_212, %rem3A_503 : i32
            %mul3A_505 = arith.constant 64 : i32
            %mul3A_506 = arith.muli %mul3A_505, %add3A_231 : i32
            %dma_wait3A = arith.constant 0 : i32
            %dma_wait3A_507 = arith.constant 0 : i32
            %dma_wait3A_508 = tpu.memref_slice %run_scoped3A_22[%rem3A_504, %dma_wait3A, %dma_wait3A_507] : memref<2x64x272xf32, #tpu.memory_space<vmem>> -> memref<1x64x272xf32, #tpu.memory_space<vmem>>
            %dma_wait3A_509 = tpu.memref_squeeze %dma_wait3A_508 : memref<1x64x272xf32, #tpu.memory_space<vmem>> -> memref<64x272xf32, #tpu.memory_space<vmem>>
            %dma_wait3A_510 = arith.constant 0 : i32
            %dma_wait3A_511 = tpu.memref_slice %arg5[%mul3A_506, %dma_wait3A_510] : memref<160000x272xf32, #tpu.memory_space<hbm>> -> memref<64x272xf32, #tpu.memory_space<hbm>>
            %dma_wait3A_512 = tpu.memref_slice %run_scoped3A_23[%rem3A_504] : memref<2x!tpu.dma_semaphore, #tpu.memory_space<semaphore_mem>> -> memref<1x!tpu.dma_semaphore, #tpu.memory_space<semaphore_mem>>
            %dma_wait3A_513 = tpu.memref_squeeze %dma_wait3A_512 : memref<1x!tpu.dma_semaphore, #tpu.memory_space<semaphore_mem>> -> memref<!tpu.dma_semaphore, #tpu.memory_space<semaphore_mem>>
            %dma_wait3A_514 = arith.constant 0 : i32
            %dma_wait3A_515 = tpu.memref_slice %arg5[%mul3A_506, %dma_wait3A_514] : memref<160000x272xf32, #tpu.memory_space<hbm>> -> memref<64x272xf32, #tpu.memory_space<hbm>>
            %dma_wait3A_516 = arith.constant 0 : i32
            %dma_wait3A_517 = arith.constant 0 : i32
            %dma_wait3A_518 = tpu.memref_slice %run_scoped3A_22[%rem3A_504, %dma_wait3A_516, %dma_wait3A_517] : memref<2x64x272xf32, #tpu.memory_space<vmem>> -> memref<1x64x272xf32, #tpu.memory_space<vmem>>
            %dma_wait3A_519 = tpu.memref_squeeze %dma_wait3A_518 : memref<1x64x272xf32, #tpu.memory_space<vmem>> -> memref<64x272xf32, #tpu.memory_space<vmem>>
            tpu.wait_dma2 semaphore(%dma_wait3A_513 : memref<!tpu.dma_semaphore, #tpu.memory_space<semaphore_mem>>) src(%dma_wait3A_519 : memref<64x272xf32, #tpu.memory_space<vmem>>) dst(%dma_wait3A_515 : memref<64x272xf32, #tpu.memory_space<hbm>>)
            "tpu.trace_stop"() : () -> ()
          } else {
          }
          %and3A_464 = arith.constant true
          %and3A_465 = arith.andi %and3A_460, %and3A_464 : i1
          %add3A_466 = arith.constant 1 : i32
          %add3A_467 = arith.addi %while3A_212, %add3A_466 : i32
          %select_n3A_468 = arith.select %and3A_465, %add3A_467, %while3A_212 : i32
          %ne3A_469 = arith.cmpi ne, %add3A_221, %add3A_239 : i32
          %or3A_470 = arith.constant false
          %or3A_471 = arith.ori %or3A_470, %ne3A_469 : i1
          %or3A_472 = arith.constant false
          %or3A_473 = arith.ori %or3A_471, %or3A_472 : i1
          %or3A_474 = arith.ori %or3A_473, %eq3A_220 : i1
          %add3A_475 = arith.constant 1 : i32
          %add3A_476 = arith.addi %while3A_206, %add3A_475 : i32
          %select_n3A_477 = arith.select %or3A_474, %add3A_476, %while3A_206 : i32
          %ne3A_478 = arith.cmpi ne, %add3A_221, %add3A_239 : i32
          %or3A_479 = arith.constant false
          %or3A_480 = arith.ori %or3A_479, %ne3A_478 : i1
          %or3A_481 = arith.constant false
          %or3A_482 = arith.ori %or3A_480, %or3A_481 : i1
          %or3A_483 = arith.ori %or3A_482, %eq3A_220 : i1
          %add3A_484 = arith.constant 1 : i32
          %add3A_485 = arith.addi %while3A_208, %add3A_484 : i32
          %select_n3A_486 = arith.select %or3A_483, %add3A_485, %while3A_208 : i32
          %ne3A_487 = arith.cmpi ne, %add3A_221, %add3A_239 : i32
          %or3A_488 = arith.constant false
          %or3A_489 = arith.ori %or3A_488, %ne3A_487 : i1
          %or3A_490 = arith.constant false
          %or3A_491 = arith.ori %or3A_489, %or3A_490 : i1
          %or3A_492 = arith.ori %or3A_491, %eq3A_220 : i1
          %add3A_493 = arith.constant 1 : i32
          %add3A_494 = arith.addi %while3A_210, %add3A_493 : i32
          %select_n3A_495 = arith.select %or3A_492, %add3A_494, %while3A_210 : i32
          %add3A_496 = arith.constant 1 : i32
          %add3A_497 = arith.addi %while3A_213, %add3A_496 : i32
          %select_n3A_498 = arith.constant true
          %select_n3A_499 = arith.select %select_n3A_498, %add3A_497, %while3A_213 : i32
          %eq3A_500 = arith.cmpi eq, %select_n3A_499, %select_n3A : i32
          %select_n3A_501 = arith.constant 0 : i32
          %select_n3A_502 = arith.select %eq3A_500, %select_n3A_501, %select_n3A_499 : i32
          scf.yield %select_n3A_263, %select_n3A_477, %select_n3A_284, %select_n3A_486, %select_n3A_305, %select_n3A_495, %select_n3A_413, %select_n3A_468, %select_n3A_502 : i32, i32, i32, i32, i32, i32, i32, i32, i32
        }
        %while3A_145 = arith.constant 1 : i32
        %while3A_146:9 = scf.for %while3A_204 = %while3A_142 to %while3A_138 step %while3A_145 iter_args(%while3A_205 = %while3A_144#0, %while3A_206 = %while3A_144#1, %while3A_207 = %while3A_144#2, %while3A_208 = %while3A_144#3, %while3A_209 = %while3A_144#4, %while3A_210 = %while3A_144#5, %while3A_211 = %while3A_144#6, %while3A_212 = %while3A_144#7, %while3A_213 = %while3A_144#8) -> (i32, i32, i32, i32, i32, i32, i32, i32, i32)  : i32 {
          %mul3A_214 = arith.constant 1 : i32
          %mul3A_215 = arith.muli %mul3A_214, %select_n3A : i32
          %eq3A_216 = arith.constant 0 : i32
          %eq3A_217 = arith.cmpi eq, %while3A_204, %eq3A_216 : i32
          %sub3A_218 = arith.constant 1 : i32
          %sub3A_219 = arith.subi %mul3A_215, %sub3A_218 : i32
          %eq3A_220 = arith.cmpi eq, %while3A_204, %sub3A_219 : i32
          %add3A_221 = arith.addi %while3A_213, %select_n3A_14 : i32
          %sub3A_222 = arith.constant 1 : i32
          %sub3A_223 = arith.subi %while3A_213, %sub3A_222 : i32
          %select_n3A_224 = arith.constant true
          %select_n3A_225 = arith.select %select_n3A_224, %sub3A_223, %while3A_213 : i32
          %eq3A_226 = arith.constant -1 : i32
          %eq3A_227 = arith.cmpi eq, %select_n3A_225, %eq3A_226 : i32
          %sub3A_228 = arith.constant 1 : i32
          %sub3A_229 = arith.subi %select_n3A, %sub3A_228 : i32
          %select_n3A_230 = arith.select %eq3A_227, %sub3A_229, %select_n3A_225 : i32
          %add3A_231 = arith.addi %select_n3A_230, %select_n3A_14 : i32
          %add3A_232 = arith.constant 1 : i32
          %add3A_233 = arith.addi %while3A_213, %add3A_232 : i32
          %select_n3A_234 = arith.constant true
          %select_n3A_235 = arith.select %select_n3A_234, %add3A_233, %while3A_213 : i32
          %eq3A_236 = arith.cmpi eq, %select_n3A_235, %select_n3A : i32
          %select_n3A_237 = arith.constant 0 : i32
          %select_n3A_238 = arith.select %eq3A_236, %select_n3A_237, %select_n3A_235 : i32
          %add3A_239 = arith.addi %select_n3A_238, %select_n3A_14 : i32
          %add3A_240 = arith.constant 1 : i32
          %add3A_241 = arith.addi %select_n3A_238, %add3A_240 : i32
          %select_n3A_242 = arith.constant true
          %select_n3A_243 = arith.select %select_n3A_242, %add3A_241, %select_n3A_238 : i32
          %eq3A_244 = arith.cmpi eq, %select_n3A_243, %select_n3A : i32
          %select_n3A_245 = arith.constant 0 : i32
          %select_n3A_246 = arith.select %eq3A_244, %select_n3A_245, %select_n3A_243 : i32
          %add3A_247 = arith.addi %select_n3A_246, %select_n3A_14 : i32
          %ne3A = arith.cmpi ne, %add3A_221, %add3A_239 : i32
          %or3A = arith.constant false
          %or3A_248 = arith.ori %or3A, %ne3A : i1
          %or3A_249 = arith.constant false
          %or3A_250 = arith.ori %or3A_248, %or3A_249 : i1
          %sub3A_251 = arith.constant 2 : i32
          %sub3A_252 = arith.subi %mul3A_215, %sub3A_251 : i32
          %add3A_253 = arith.constant 1 : i32
          %add3A_254 = arith.addi %sub3A_252, %add3A_253 : i32
          %ge3A = arith.cmpi sge, %while3A_204, %add3A_254 : i32
          %not3A = arith.constant true
          %not3A_255 = arith.xori %ge3A, %not3A : i1
          %and3A = arith.andi %or3A_250, %not3A_255 : i1
          %convert_element_type3A_256 = arith.extui %and3A : i1 to i32
          %cond3A_257 = arith.constant 0 : i32
          %cond3A_258 = arith.cmpi ne, %convert_element_type3A_256, %cond3A_257 : i32
          scf.if %cond3A_258 {
            "tpu.trace_start"() <{level = 10 : i32, message = "ep_copy_in"}> : () -> ()
            %rem3A_503 = arith.constant 2 : i32
            %rem3A_504 = arith.remui %while3A_205, %rem3A_503 : i32
            %mul3A_505 = arith.constant 64 : i32
            %mul3A_506 = arith.muli %mul3A_505, %add3A_239 : i32
            %dma_start3A_507 = arith.constant 0 : i32
            %dma_start3A_508 = arith.constant 0 : i32
            %dma_start3A_509 = tpu.memref_slice %run_scoped3A[%rem3A_504, %dma_start3A_507, %dma_start3A_508] : memref<2x64x3xf32, #tpu.memory_space<vmem>> -> memref<1x64x3xf32, #tpu.memory_space<vmem>>
            %dma_start3A_510 = tpu.memref_squeeze %dma_start3A_509 : memref<1x64x3xf32, #tpu.memory_space<vmem>> -> memref<64x3xf32, #tpu.memory_space<vmem>>
            %dma_start3A_511 = arith.constant 0 : i32
            %dma_start3A_512 = tpu.memref_slice %arg2[%mul3A_506, %dma_start3A_511] : memref<160000x3xf32, #tpu.memory_space<hbm>> -> memref<64x3xf32, #tpu.memory_space<hbm>>
            %dma_start3A_513 = tpu.memref_slice %run_scoped3A_17[%rem3A_504] : memref<2x!tpu.dma_semaphore, #tpu.memory_space<semaphore_mem>> -> memref<1x!tpu.dma_semaphore, #tpu.memory_space<semaphore_mem>>
            %dma_start3A_514 = tpu.memref_squeeze %dma_start3A_513 : memref<1x!tpu.dma_semaphore, #tpu.memory_space<semaphore_mem>> -> memref<!tpu.dma_semaphore, #tpu.memory_space<semaphore_mem>>
            %dma_start3A_515 = arith.constant 0 : i32
            %dma_start3A_516 = arith.constant 0 : i32
            %dma_start3A_517 = tpu.memref_slice %run_scoped3A[%rem3A_504, %dma_start3A_515, %dma_start3A_516] : memref<2x64x3xf32, #tpu.memory_space<vmem>> -> memref<1x64x3xf32, #tpu.memory_space<vmem>>
            %dma_start3A_518 = tpu.memref_squeeze %dma_start3A_517 : memref<1x64x3xf32, #tpu.memory_space<vmem>> -> memref<64x3xf32, #tpu.memory_space<vmem>>
            %dma_start3A_519 = arith.constant 0 : i32
            %dma_start3A_520 = tpu.memref_slice %arg2[%mul3A_506, %dma_start3A_519] : memref<160000x3xf32, #tpu.memory_space<hbm>> -> memref<64x3xf32, #tpu.memory_space<hbm>>
            tpu.enqueue_dma source(%dma_start3A_520 : memref<64x3xf32, #tpu.memory_space<hbm>>) target(%dma_start3A_518 : memref<64x3xf32, #tpu.memory_space<vmem>>) target_semaphore(%dma_start3A_514 : memref<!tpu.dma_semaphore, #tpu.memory_space<semaphore_mem>>)
            "tpu.trace_stop"() : () -> ()
          } else {
          }
          %and3A_259 = arith.constant true
          %and3A_260 = arith.andi %and3A, %and3A_259 : i1
          %add3A_261 = arith.constant 1 : i32
          %add3A_262 = arith.addi %while3A_205, %add3A_261 : i32
          %select_n3A_263 = arith.select %and3A_260, %add3A_262, %while3A_205 : i32
          %ne3A_264 = arith.cmpi ne, %add3A_221, %add3A_239 : i32
          %or3A_265 = arith.constant false
          %or3A_266 = arith.ori %or3A_265, %ne3A_264 : i1
          %or3A_267 = arith.constant false
          %or3A_268 = arith.ori %or3A_266, %or3A_267 : i1
          %sub3A_269 = arith.constant 2 : i32
          %sub3A_270 = arith.subi %mul3A_215, %sub3A_269 : i32
          %add3A_271 = arith.constant 1 : i32
          %add3A_272 = arith.addi %sub3A_270, %add3A_271 : i32
          %ge3A_273 = arith.cmpi sge, %while3A_204, %add3A_272 : i32
          %not3A_274 = arith.constant true
          %not3A_275 = arith.xori %ge3A_273, %not3A_274 : i1
          %and3A_276 = arith.andi %or3A_268, %not3A_275 : i1
          %convert_element_type3A_277 = arith.extui %and3A_276 : i1 to i32
          %cond3A_278 = arith.constant 0 : i32
          %cond3A_279 = arith.cmpi ne, %convert_element_type3A_277, %cond3A_278 : i32
          scf.if %cond3A_279 {
            "tpu.trace_start"() <{level = 10 : i32, message = "ep_copy_in"}> : () -> ()
            %rem3A_503 = arith.constant 2 : i32
            %rem3A_504 = arith.remui %while3A_207, %rem3A_503 : i32
            %mul3A_505 = arith.constant 64 : i32
            %mul3A_506 = arith.muli %mul3A_505, %add3A_239 : i32
            %dma_start3A_507 = arith.constant 0 : i32
            %dma_start3A_508 = arith.constant 0 : i32
            %dma_start3A_509 = tpu.memref_slice %run_scoped3A_18[%rem3A_504, %dma_start3A_507, %dma_start3A_508] : memref<2x64x16xf32, #tpu.memory_space<vmem>> -> memref<1x64x16xf32, #tpu.memory_space<vmem>>
            %dma_start3A_510 = tpu.memref_squeeze %dma_start3A_509 : memref<1x64x16xf32, #tpu.memory_space<vmem>> -> memref<64x16xf32, #tpu.memory_space<vmem>>
            %dma_start3A_511 = arith.constant 0 : i32
            %dma_start3A_512 = tpu.memref_slice %arg3[%mul3A_506, %dma_start3A_511] : memref<160000x16xf32, #tpu.memory_space<hbm>> -> memref<64x16xf32, #tpu.memory_space<hbm>>
            %dma_start3A_513 = tpu.memref_slice %run_scoped3A_19[%rem3A_504] : memref<2x!tpu.dma_semaphore, #tpu.memory_space<semaphore_mem>> -> memref<1x!tpu.dma_semaphore, #tpu.memory_space<semaphore_mem>>
            %dma_start3A_514 = tpu.memref_squeeze %dma_start3A_513 : memref<1x!tpu.dma_semaphore, #tpu.memory_space<semaphore_mem>> -> memref<!tpu.dma_semaphore, #tpu.memory_space<semaphore_mem>>
            %dma_start3A_515 = arith.constant 0 : i32
            %dma_start3A_516 = arith.constant 0 : i32
            %dma_start3A_517 = tpu.memref_slice %run_scoped3A_18[%rem3A_504, %dma_start3A_515, %dma_start3A_516] : memref<2x64x16xf32, #tpu.memory_space<vmem>> -> memref<1x64x16xf32, #tpu.memory_space<vmem>>
            %dma_start3A_518 = tpu.memref_squeeze %dma_start3A_517 : memref<1x64x16xf32, #tpu.memory_space<vmem>> -> memref<64x16xf32, #tpu.memory_space<vmem>>
            %dma_start3A_519 = arith.constant 0 : i32
            %dma_start3A_520 = tpu.memref_slice %arg3[%mul3A_506, %dma_start3A_519] : memref<160000x16xf32, #tpu.memory_space<hbm>> -> memref<64x16xf32, #tpu.memory_space<hbm>>
            tpu.enqueue_dma source(%dma_start3A_520 : memref<64x16xf32, #tpu.memory_space<hbm>>) target(%dma_start3A_518 : memref<64x16xf32, #tpu.memory_space<vmem>>) target_semaphore(%dma_start3A_514 : memref<!tpu.dma_semaphore, #tpu.memory_space<semaphore_mem>>)
            "tpu.trace_stop"() : () -> ()
          } else {
          }
          %and3A_280 = arith.constant true
          %and3A_281 = arith.andi %and3A_276, %and3A_280 : i1
          %add3A_282 = arith.constant 1 : i32
          %add3A_283 = arith.addi %while3A_207, %add3A_282 : i32
          %select_n3A_284 = arith.select %and3A_281, %add3A_283, %while3A_207 : i32
          %ne3A_285 = arith.cmpi ne, %add3A_221, %add3A_239 : i32
          %or3A_286 = arith.constant false
          %or3A_287 = arith.ori %or3A_286, %ne3A_285 : i1
          %or3A_288 = arith.constant false
          %or3A_289 = arith.ori %or3A_287, %or3A_288 : i1
          %sub3A_290 = arith.constant 2 : i32
          %sub3A_291 = arith.subi %mul3A_215, %sub3A_290 : i32
          %add3A_292 = arith.constant 1 : i32
          %add3A_293 = arith.addi %sub3A_291, %add3A_292 : i32
          %ge3A_294 = arith.cmpi sge, %while3A_204, %add3A_293 : i32
          %not3A_295 = arith.constant true
          %not3A_296 = arith.xori %ge3A_294, %not3A_295 : i1
          %and3A_297 = arith.andi %or3A_289, %not3A_296 : i1
          %convert_element_type3A_298 = arith.extui %and3A_297 : i1 to i32
          %cond3A_299 = arith.constant 0 : i32
          %cond3A_300 = arith.cmpi ne, %convert_element_type3A_298, %cond3A_299 : i32
          scf.if %cond3A_300 {
            "tpu.trace_start"() <{level = 10 : i32, message = "ep_copy_in"}> : () -> ()
            %rem3A_503 = arith.constant 2 : i32
            %rem3A_504 = arith.remui %while3A_209, %rem3A_503 : i32
            %mul3A_505 = arith.constant 64 : i32
            %mul3A_506 = arith.muli %mul3A_505, %add3A_239 : i32
            %dma_start3A_507 = arith.constant 0 : i32
            %dma_start3A_508 = arith.constant 0 : i32
            %dma_start3A_509 = tpu.memref_slice %run_scoped3A_20[%rem3A_504, %dma_start3A_507, %dma_start3A_508] : memref<2x64x16xf32, #tpu.memory_space<vmem>> -> memref<1x64x16xf32, #tpu.memory_space<vmem>>
            %dma_start3A_510 = tpu.memref_squeeze %dma_start3A_509 : memref<1x64x16xf32, #tpu.memory_space<vmem>> -> memref<64x16xf32, #tpu.memory_space<vmem>>
            %dma_start3A_511 = arith.constant 0 : i32
            %dma_start3A_512 = tpu.memref_slice %arg4[%mul3A_506, %dma_start3A_511] : memref<160000x16xf32, #tpu.memory_space<hbm>> -> memref<64x16xf32, #tpu.memory_space<hbm>>
            %dma_start3A_513 = tpu.memref_slice %run_scoped3A_21[%rem3A_504] : memref<2x!tpu.dma_semaphore, #tpu.memory_space<semaphore_mem>> -> memref<1x!tpu.dma_semaphore, #tpu.memory_space<semaphore_mem>>
            %dma_start3A_514 = tpu.memref_squeeze %dma_start3A_513 : memref<1x!tpu.dma_semaphore, #tpu.memory_space<semaphore_mem>> -> memref<!tpu.dma_semaphore, #tpu.memory_space<semaphore_mem>>
            %dma_start3A_515 = arith.constant 0 : i32
            %dma_start3A_516 = arith.constant 0 : i32
            %dma_start3A_517 = tpu.memref_slice %run_scoped3A_20[%rem3A_504, %dma_start3A_515, %dma_start3A_516] : memref<2x64x16xf32, #tpu.memory_space<vmem>> -> memref<1x64x16xf32, #tpu.memory_space<vmem>>
            %dma_start3A_518 = tpu.memref_squeeze %dma_start3A_517 : memref<1x64x16xf32, #tpu.memory_space<vmem>> -> memref<64x16xf32, #tpu.memory_space<vmem>>
            %dma_start3A_519 = arith.constant 0 : i32
            %dma_start3A_520 = tpu.memref_slice %arg4[%mul3A_506, %dma_start3A_519] : memref<160000x16xf32, #tpu.memory_space<hbm>> -> memref<64x16xf32, #tpu.memory_space<hbm>>
            tpu.enqueue_dma source(%dma_start3A_520 : memref<64x16xf32, #tpu.memory_space<hbm>>) target(%dma_start3A_518 : memref<64x16xf32, #tpu.memory_space<vmem>>) target_semaphore(%dma_start3A_514 : memref<!tpu.dma_semaphore, #tpu.memory_space<semaphore_mem>>)
            "tpu.trace_stop"() : () -> ()
          } else {
          }
          %and3A_301 = arith.constant true
          %and3A_302 = arith.andi %and3A_297, %and3A_301 : i1
          %add3A_303 = arith.constant 1 : i32
          %add3A_304 = arith.addi %while3A_209, %add3A_303 : i32
          %select_n3A_305 = arith.select %and3A_302, %add3A_304, %while3A_209 : i32
          %ne3A_306 = arith.cmpi ne, %add3A_221, %add3A_239 : i32
          %or3A_307 = arith.constant false
          %or3A_308 = arith.ori %or3A_307, %ne3A_306 : i1
          %or3A_309 = arith.constant false
          %or3A_310 = arith.ori %or3A_308, %or3A_309 : i1
          %sub3A_311 = arith.constant 2 : i32
          %sub3A_312 = arith.subi %mul3A_215, %sub3A_311 : i32
          %add3A_313 = arith.constant 1 : i32
          %add3A_314 = arith.addi %sub3A_312, %add3A_313 : i32
          %ge3A_315 = arith.cmpi sge, %while3A_204, %add3A_314 : i32
          %not3A_316 = arith.constant true
          %not3A_317 = arith.xori %ge3A_315, %not3A_316 : i1
          %and3A_318 = arith.andi %or3A_310, %not3A_317 : i1
          %ne3A_319 = arith.cmpi ne, %add3A_221, %add3A_231 : i32
          %or3A_320 = arith.constant false
          %or3A_321 = arith.ori %or3A_320, %ne3A_319 : i1
          %or3A_322 = arith.constant false
          %or3A_323 = arith.ori %or3A_321, %or3A_322 : i1
          %or3A_324 = arith.ori %or3A_323, %eq3A_217 : i1
          %convert_element_type3A_325 = arith.extui %or3A_324 : i1 to i32
          %cond3A_326 = arith.constant 0 : i32
          %cond3A_327 = arith.cmpi ne, %convert_element_type3A_325, %cond3A_326 : i32
          scf.if %cond3A_327 {
            "tpu.trace_start"() <{level = 10 : i32, message = "ep_wait_in"}> : () -> ()
            %mul3A_503 = arith.constant 64 : i32
            %mul3A_504 = arith.muli %mul3A_503, %add3A_221 : i32
            %rem3A_505 = arith.constant 2 : i32
            %rem3A_506 = arith.remui %while3A_206, %rem3A_505 : i32
            %dma_wait3A = arith.constant 0 : i32
            %dma_wait3A_507 = arith.constant 0 : i32
            %dma_wait3A_508 = tpu.memref_slice %run_scoped3A[%rem3A_506, %dma_wait3A, %dma_wait3A_507] : memref<2x64x3xf32, #tpu.memory_space<vmem>> -> memref<1x64x3xf32, #tpu.memory_space<vmem>>
            %dma_wait3A_509 = tpu.memref_squeeze %dma_wait3A_508 : memref<1x64x3xf32, #tpu.memory_space<vmem>> -> memref<64x3xf32, #tpu.memory_space<vmem>>
            %dma_wait3A_510 = arith.constant 0 : i32
            %dma_wait3A_511 = tpu.memref_slice %arg2[%mul3A_504, %dma_wait3A_510] : memref<160000x3xf32, #tpu.memory_space<hbm>> -> memref<64x3xf32, #tpu.memory_space<hbm>>
            %dma_wait3A_512 = tpu.memref_slice %run_scoped3A_17[%rem3A_506] : memref<2x!tpu.dma_semaphore, #tpu.memory_space<semaphore_mem>> -> memref<1x!tpu.dma_semaphore, #tpu.memory_space<semaphore_mem>>
            %dma_wait3A_513 = tpu.memref_squeeze %dma_wait3A_512 : memref<1x!tpu.dma_semaphore, #tpu.memory_space<semaphore_mem>> -> memref<!tpu.dma_semaphore, #tpu.memory_space<semaphore_mem>>
            %dma_wait3A_514 = arith.constant 0 : i32
            %dma_wait3A_515 = arith.constant 0 : i32
            %dma_wait3A_516 = tpu.memref_slice %run_scoped3A[%rem3A_506, %dma_wait3A_514, %dma_wait3A_515] : memref<2x64x3xf32, #tpu.memory_space<vmem>> -> memref<1x64x3xf32, #tpu.memory_space<vmem>>
            %dma_wait3A_517 = tpu.memref_squeeze %dma_wait3A_516 : memref<1x64x3xf32, #tpu.memory_space<vmem>> -> memref<64x3xf32, #tpu.memory_space<vmem>>
            %dma_wait3A_518 = arith.constant 0 : i32
            %dma_wait3A_519 = tpu.memref_slice %arg2[%mul3A_504, %dma_wait3A_518] : memref<160000x3xf32, #tpu.memory_space<hbm>> -> memref<64x3xf32, #tpu.memory_space<hbm>>
            tpu.wait_dma2 semaphore(%dma_wait3A_513 : memref<!tpu.dma_semaphore, #tpu.memory_space<semaphore_mem>>) src(%dma_wait3A_519 : memref<64x3xf32, #tpu.memory_space<hbm>>) dst(%dma_wait3A_517 : memref<64x3xf32, #tpu.memory_space<vmem>>)
            "tpu.trace_stop"() : () -> ()
          } else {
          }
          %ne3A_328 = arith.cmpi ne, %add3A_221, %add3A_231 : i32
          %or3A_329 = arith.constant false
          %or3A_330 = arith.ori %or3A_329, %ne3A_328 : i1
          %or3A_331 = arith.constant false
          %or3A_332 = arith.ori %or3A_330, %or3A_331 : i1
          %or3A_333 = arith.ori %or3A_332, %eq3A_217 : i1
          %convert_element_type3A_334 = arith.extui %or3A_333 : i1 to i32
          %cond3A_335 = arith.constant 0 : i32
          %cond3A_336 = arith.cmpi ne, %convert_element_type3A_334, %cond3A_335 : i32
          scf.if %cond3A_336 {
            "tpu.trace_start"() <{level = 10 : i32, message = "ep_wait_in"}> : () -> ()
            %mul3A_503 = arith.constant 64 : i32
            %mul3A_504 = arith.muli %mul3A_503, %add3A_221 : i32
            %rem3A_505 = arith.constant 2 : i32
            %rem3A_506 = arith.remui %while3A_208, %rem3A_505 : i32
            %dma_wait3A = arith.constant 0 : i32
            %dma_wait3A_507 = arith.constant 0 : i32
            %dma_wait3A_508 = tpu.memref_slice %run_scoped3A_18[%rem3A_506, %dma_wait3A, %dma_wait3A_507] : memref<2x64x16xf32, #tpu.memory_space<vmem>> -> memref<1x64x16xf32, #tpu.memory_space<vmem>>
            %dma_wait3A_509 = tpu.memref_squeeze %dma_wait3A_508 : memref<1x64x16xf32, #tpu.memory_space<vmem>> -> memref<64x16xf32, #tpu.memory_space<vmem>>
            %dma_wait3A_510 = arith.constant 0 : i32
            %dma_wait3A_511 = tpu.memref_slice %arg3[%mul3A_504, %dma_wait3A_510] : memref<160000x16xf32, #tpu.memory_space<hbm>> -> memref<64x16xf32, #tpu.memory_space<hbm>>
            %dma_wait3A_512 = tpu.memref_slice %run_scoped3A_19[%rem3A_506] : memref<2x!tpu.dma_semaphore, #tpu.memory_space<semaphore_mem>> -> memref<1x!tpu.dma_semaphore, #tpu.memory_space<semaphore_mem>>
            %dma_wait3A_513 = tpu.memref_squeeze %dma_wait3A_512 : memref<1x!tpu.dma_semaphore, #tpu.memory_space<semaphore_mem>> -> memref<!tpu.dma_semaphore, #tpu.memory_space<semaphore_mem>>
            %dma_wait3A_514 = arith.constant 0 : i32
            %dma_wait3A_515 = arith.constant 0 : i32
            %dma_wait3A_516 = tpu.memref_slice %run_scoped3A_18[%rem3A_506, %dma_wait3A_514, %dma_wait3A_515] : memref<2x64x16xf32, #tpu.memory_space<vmem>> -> memref<1x64x16xf32, #tpu.memory_space<vmem>>
            %dma_wait3A_517 = tpu.memref_squeeze %dma_wait3A_516 : memref<1x64x16xf32, #tpu.memory_space<vmem>> -> memref<64x16xf32, #tpu.memory_space<vmem>>
            %dma_wait3A_518 = arith.constant 0 : i32
            %dma_wait3A_519 = tpu.memref_slice %arg3[%mul3A_504, %dma_wait3A_518] : memref<160000x16xf32, #tpu.memory_space<hbm>> -> memref<64x16xf32, #tpu.memory_space<hbm>>
            tpu.wait_dma2 semaphore(%dma_wait3A_513 : memref<!tpu.dma_semaphore, #tpu.memory_space<semaphore_mem>>) src(%dma_wait3A_519 : memref<64x16xf32, #tpu.memory_space<hbm>>) dst(%dma_wait3A_517 : memref<64x16xf32, #tpu.memory_space<vmem>>)
            "tpu.trace_stop"() : () -> ()
          } else {
          }
          %ne3A_337 = arith.cmpi ne, %add3A_221, %add3A_231 : i32
          %or3A_338 = arith.constant false
          %or3A_339 = arith.ori %or3A_338, %ne3A_337 : i1
          %or3A_340 = arith.constant false
          %or3A_341 = arith.ori %or3A_339, %or3A_340 : i1
          %or3A_342 = arith.ori %or3A_341, %eq3A_217 : i1
          %convert_element_type3A_343 = arith.extui %or3A_342 : i1 to i32
          %cond3A_344 = arith.constant 0 : i32
          %cond3A_345 = arith.cmpi ne, %convert_element_type3A_343, %cond3A_344 : i32
          scf.if %cond3A_345 {
            "tpu.trace_start"() <{level = 10 : i32, message = "ep_wait_in"}> : () -> ()
            %mul3A_503 = arith.constant 64 : i32
            %mul3A_504 = arith.muli %mul3A_503, %add3A_221 : i32
            %rem3A_505 = arith.constant 2 : i32
            %rem3A_506 = arith.remui %while3A_210, %rem3A_505 : i32
            %dma_wait3A = arith.constant 0 : i32
            %dma_wait3A_507 = arith.constant 0 : i32
            %dma_wait3A_508 = tpu.memref_slice %run_scoped3A_20[%rem3A_506, %dma_wait3A, %dma_wait3A_507] : memref<2x64x16xf32, #tpu.memory_space<vmem>> -> memref<1x64x16xf32, #tpu.memory_space<vmem>>
            %dma_wait3A_509 = tpu.memref_squeeze %dma_wait3A_508 : memref<1x64x16xf32, #tpu.memory_space<vmem>> -> memref<64x16xf32, #tpu.memory_space<vmem>>
            %dma_wait3A_510 = arith.constant 0 : i32
            %dma_wait3A_511 = tpu.memref_slice %arg4[%mul3A_504, %dma_wait3A_510] : memref<160000x16xf32, #tpu.memory_space<hbm>> -> memref<64x16xf32, #tpu.memory_space<hbm>>
            %dma_wait3A_512 = tpu.memref_slice %run_scoped3A_21[%rem3A_506] : memref<2x!tpu.dma_semaphore, #tpu.memory_space<semaphore_mem>> -> memref<1x!tpu.dma_semaphore, #tpu.memory_space<semaphore_mem>>
            %dma_wait3A_513 = tpu.memref_squeeze %dma_wait3A_512 : memref<1x!tpu.dma_semaphore, #tpu.memory_space<semaphore_mem>> -> memref<!tpu.dma_semaphore, #tpu.memory_space<semaphore_mem>>
            %dma_wait3A_514 = arith.constant 0 : i32
            %dma_wait3A_515 = arith.constant 0 : i32
            %dma_wait3A_516 = tpu.memref_slice %run_scoped3A_20[%rem3A_506, %dma_wait3A_514, %dma_wait3A_515] : memref<2x64x16xf32, #tpu.memory_space<vmem>> -> memref<1x64x16xf32, #tpu.memory_space<vmem>>
            %dma_wait3A_517 = tpu.memref_squeeze %dma_wait3A_516 : memref<1x64x16xf32, #tpu.memory_space<vmem>> -> memref<64x16xf32, #tpu.memory_space<vmem>>
            %dma_wait3A_518 = arith.constant 0 : i32
            %dma_wait3A_519 = tpu.memref_slice %arg4[%mul3A_504, %dma_wait3A_518] : memref<160000x16xf32, #tpu.memory_space<hbm>> -> memref<64x16xf32, #tpu.memory_space<hbm>>
            tpu.wait_dma2 semaphore(%dma_wait3A_513 : memref<!tpu.dma_semaphore, #tpu.memory_space<semaphore_mem>>) src(%dma_wait3A_519 : memref<64x16xf32, #tpu.memory_space<hbm>>) dst(%dma_wait3A_517 : memref<64x16xf32, #tpu.memory_space<vmem>>)
            "tpu.trace_stop"() : () -> ()
          } else {
          }
          %ne3A_346 = arith.cmpi ne, %add3A_221, %add3A_231 : i32
          %or3A_347 = arith.constant false
          %or3A_348 = arith.ori %or3A_347, %ne3A_346 : i1
          %or3A_349 = arith.constant false
          %or3A_350 = arith.ori %or3A_348, %or3A_349 : i1
          %or3A_351 = arith.ori %or3A_350, %eq3A_217 : i1
          %convert_element_type3A_352 = arith.extui %or3A_351 : i1 to i32
          %cond3A_353 = arith.constant 0 : i32
          %cond3A_354 = arith.cmpi ne, %convert_element_type3A_352, %cond3A_353 : i32
          scf.if %cond3A_354 {
          } else {
          }
          %rem3A_355 = arith.constant 2 : i32
          %rem3A_356 = arith.remui %while3A_206, %rem3A_355 : i32
          %rem3A_357 = arith.constant 2 : i32
          %rem3A_358 = arith.remui %while3A_208, %rem3A_357 : i32
          %rem3A_359 = arith.constant 2 : i32
          %rem3A_360 = arith.remui %while3A_210, %rem3A_359 : i32
          %rem3A_361 = arith.constant 2 : i32
          %rem3A_362 = arith.remui %while3A_211, %rem3A_361 : i32
          "tpu.trace_start"() <{level = 10 : i32, message = "ep_run_kernel"}> : () -> ()
          %scan3A = arith.constant 0 : i32
          %scan3A_363 = arith.constant 64 : i32
          %scan3A_364 = arith.addi %scan3A, %scan3A_363 : i32
          %scan3A_365 = arith.constant 1 : i32
          scf.for %scan3A_503 = %scan3A to %scan3A_364 step %scan3A_365  : i32 {
            %mul3A_504 = arith.constant 1 : i32
            %mul3A_505 = arith.muli %scan3A_503, %mul3A_504 : i32
            %add3A_506 = arith.constant 0 : i32
            %add3A_507 = arith.addi %add3A_506, %mul3A_505 : i32
            %get3A = arith.constant 0 : i32
            %get3A_508 = arith.constant 0 : i32
            %get3A_509 = tpu.memref_slice %run_scoped3A_18[%rem3A_358, %get3A, %get3A_508] : memref<2x64x16xf32, #tpu.memory_space<vmem>> -> memref<1x64x16xf32, #tpu.memory_space<vmem>>
            %get3A_510 = tpu.memref_squeeze %get3A_509 : memref<1x64x16xf32, #tpu.memory_space<vmem>> -> memref<64x16xf32, #tpu.memory_space<vmem>>
            %get3A_511 = arith.index_cast %add3A_507 : i32 to index
            %get3A_512 = arith.constant 0 : index
            %get3A_513 = tpu.vector_load %get3A_510[%get3A_511, %get3A_512] {strides = array<i32>} : memref<64x16xf32, #tpu.memory_space<vmem>>, vector<1x16xf32>,
            %get3A_514 = vector.shape_cast %get3A_513 : vector<1x16xf32> to vector<1x16xf32>
            %get3A_515 = arith.constant 0 : i32
            %get3A_516 = arith.constant 0 : i32
            %get3A_517 = tpu.memref_slice %run_scoped3A_20[%rem3A_360, %get3A_515, %get3A_516] : memref<2x64x16xf32, #tpu.memory_space<vmem>> -> memref<1x64x16xf32, #tpu.memory_space<vmem>>
            %get3A_518 = tpu.memref_squeeze %get3A_517 : memref<1x64x16xf32, #tpu.memory_space<vmem>> -> memref<64x16xf32, #tpu.memory_space<vmem>>
            %get3A_519 = arith.index_cast %add3A_507 : i32 to index
            %get3A_520 = arith.constant 0 : index
            %get3A_521 = tpu.vector_load %get3A_518[%get3A_519, %get3A_520] {strides = array<i32>} : memref<64x16xf32, #tpu.memory_space<vmem>>, vector<1x16xf32>,
            %get3A_522 = vector.shape_cast %get3A_521 : vector<1x16xf32> to vector<1x16xf32>
            %mul3A_523 = arith.mulf %get3A_514, %get3A_522 : vector<1x16xf32>
            %swap3A = arith.constant 0 : i32
            %swap3A_524 = arith.constant 0 : i32
            %swap3A_525 = tpu.memref_slice %run_scoped3A_22[%rem3A_362, %swap3A, %swap3A_524] : memref<2x64x272xf32, #tpu.memory_space<vmem>> -> memref<1x64x272xf32, #tpu.memory_space<vmem>>
            %swap3A_526 = tpu.memref_squeeze %swap3A_525 : memref<1x64x272xf32, #tpu.memory_space<vmem>> -> memref<64x272xf32, #tpu.memory_space<vmem>>
            %swap3A_527 = arith.index_cast %add3A_507 : i32 to index
            %swap3A_528 = arith.constant 0 : index
            %swap3A_529 = tpu.vector_load %swap3A_526[%swap3A_527, %swap3A_528] {strides = array<i32>} : memref<64x272xf32, #tpu.memory_space<vmem>>, vector<1x16xf32>,
            %swap3A_530 = vector.shape_cast %swap3A_529 : vector<1x16xf32> to vector<1x16xf32>
            %swap3A_531 = vector.shape_cast %mul3A_523 : vector<1x16xf32> to vector<1x16xf32>
            tpu.vector_store %swap3A_526[%swap3A_527, %swap3A_528], %swap3A_531 {strides = array<i32>} : memref<64x272xf32, #tpu.memory_space<vmem>>, vector<1x16xf32>,
            %get3A_532 = arith.constant 0 : i32
            %get3A_533 = arith.constant 0 : i32
            %get3A_534 = tpu.memref_slice %run_scoped3A[%rem3A_356, %get3A_532, %get3A_533] : memref<2x64x3xf32, #tpu.memory_space<vmem>> -> memref<1x64x3xf32, #tpu.memory_space<vmem>>
            %get3A_535 = tpu.memref_squeeze %get3A_534 : memref<1x64x3xf32, #tpu.memory_space<vmem>> -> memref<64x3xf32, #tpu.memory_space<vmem>>
            %get3A_536 = arith.index_cast %add3A_507 : i32 to index
            %get3A_537 = arith.constant 0 : index
            %get3A_538 = tpu.vector_load %get3A_535[%get3A_536, %get3A_537] {strides = array<i32>} : memref<64x3xf32, #tpu.memory_space<vmem>>, vector<1x3xf32>,
            %get3A_539 = vector.shape_cast %get3A_538 : vector<1x3xf32> to vector<1x3xf32>
            %slice3A = vector.extract_strided_slice %get3A_539 {offsets = [0, 0], sizes = [1, 1], strides = [1, 1]} : vector<1x3xf32> to vector<1x1xf32>
            %squeeze3A = vector.extract %slice3A[0, 0] : f32 from vector<1x1xf32>
            %slice3A_540 = vector.extract_strided_slice %get3A_539 {offsets = [0, 0], sizes = [1, 1], strides = [1, 1]} : vector<1x3xf32> to vector<1x1xf32>
            %squeeze3A_541 = vector.extract %slice3A_540[0, 0] : f32 from vector<1x1xf32>
            %mul3A_542 = arith.mulf %squeeze3A, %squeeze3A_541 : f32
            %slice3A_543 = vector.extract_strided_slice %get3A_539 {offsets = [0, 1], sizes = [1, 1], strides = [1, 1]} : vector<1x3xf32> to vector<1x1xf32>
            %squeeze3A_544 = vector.extract %slice3A_543[0, 0] : f32 from vector<1x1xf32>
            %slice3A_545 = vector.extract_strided_slice %get3A_539 {offsets = [0, 1], sizes = [1, 1], strides = [1, 1]} : vector<1x3xf32> to vector<1x1xf32>
            %squeeze3A_546 = vector.extract %slice3A_545[0, 0] : f32 from vector<1x1xf32>
            %mul3A_547 = arith.mulf %squeeze3A_544, %squeeze3A_546 : f32
            %add3A_548 = arith.addf %mul3A_542, %mul3A_547 : f32
            %slice3A_549 = vector.extract_strided_slice %get3A_539 {offsets = [0, 2], sizes = [1, 1], strides = [1, 1]} : vector<1x3xf32> to vector<1x1xf32>
            %squeeze3A_550 = vector.extract %slice3A_549[0, 0] : f32 from vector<1x1xf32>
            %slice3A_551 = vector.extract_strided_slice %get3A_539 {offsets = [0, 2], sizes = [1, 1], strides = [1, 1]} : vector<1x3xf32> to vector<1x1xf32>
            %squeeze3A_552 = vector.extract %slice3A_551[0, 0] : f32 from vector<1x1xf32>
            %mul3A_553 = arith.mulf %squeeze3A_550, %squeeze3A_552 : f32
            %add3A_554 = arith.addf %add3A_548, %mul3A_553 : f32
            %mul3A_555 = vector.broadcast %add3A_554 : f32 to vector<1x16xf32>
            %mul3A_556 = arith.mulf %mul3A_523, %mul3A_555 : vector<1x16xf32>
            %slice3A_557 = vector.extract_strided_slice %mul3A_556 {offsets = [0, 0], sizes = [1, 1], strides = [1, 1]} : vector<1x16xf32> to vector<1x1xf32>
            %squeeze3A_558 = vector.extract %slice3A_557[0, 0] : f32 from vector<1x1xf32>
            %mul3A_559 = vector.broadcast %squeeze3A_558 : f32 to vector<1x16xf32>
            %mul3A_560 = arith.mulf %mul3A_523, %mul3A_559 : vector<1x16xf32>
            %swap3A_561 = arith.constant 0 : i32
            %swap3A_562 = arith.constant 0 : i32
            %swap3A_563 = tpu.memref_slice %run_scoped3A_22[%rem3A_362, %swap3A_561, %swap3A_562] : memref<2x64x272xf32, #tpu.memory_space<vmem>> -> memref<1x64x272xf32, #tpu.memory_space<vmem>>
            %swap3A_564 = tpu.memref_squeeze %swap3A_563 : memref<1x64x272xf32, #tpu.memory_space<vmem>> -> memref<64x272xf32, #tpu.memory_space<vmem>>
            %swap3A_565 = arith.index_cast %add3A_507 : i32 to index
            %swap3A_566 = arith.constant 16 : index
            %swap3A_567 = tpu.vector_load %swap3A_564[%swap3A_565, %swap3A_566] {strides = array<i32>} : memref<64x272xf32, #tpu.memory_space<vmem>>, vector<1x16xf32>,
            %swap3A_568 = vector.shape_cast %swap3A_567 : vector<1x16xf32> to vector<1x16xf32>
            %swap3A_569 = vector.shape_cast %mul3A_560 : vector<1x16xf32> to vector<1x16xf32>
            tpu.vector_store %swap3A_564[%swap3A_565, %swap3A_566], %swap3A_569 {strides = array<i32>} : memref<64x272xf32, #tpu.memory_space<vmem>>, vector<1x16xf32>,
            %slice3A_570 = vector.extract_strided_slice %mul3A_556 {offsets = [0, 1], sizes = [1, 1], strides = [1, 1]} : vector<1x16xf32> to vector<1x1xf32>
            %squeeze3A_571 = vector.extract %slice3A_570[0, 0] : f32 from vector<1x1xf32>
            %mul3A_572 = vector.broadcast %squeeze3A_571 : f32 to vector<1x16xf32>
            %mul3A_573 = arith.mulf %mul3A_523, %mul3A_572 : vector<1x16xf32>
            %swap3A_574 = arith.constant 0 : i32
            %swap3A_575 = arith.constant 0 : i32
            %swap3A_576 = tpu.memref_slice %run_scoped3A_22[%rem3A_362, %swap3A_574, %swap3A_575] : memref<2x64x272xf32, #tpu.memory_space<vmem>> -> memref<1x64x272xf32, #tpu.memory_space<vmem>>
            %swap3A_577 = tpu.memref_squeeze %swap3A_576 : memref<1x64x272xf32, #tpu.memory_space<vmem>> -> memref<64x272xf32, #tpu.memory_space<vmem>>
            %swap3A_578 = arith.index_cast %add3A_507 : i32 to index
            %swap3A_579 = arith.constant 32 : index
            %swap3A_580 = tpu.vector_load %swap3A_577[%swap3A_578, %swap3A_579] {strides = array<i32>} : memref<64x272xf32, #tpu.memory_space<vmem>>, vector<1x16xf32>,
            %swap3A_581 = vector.shape_cast %swap3A_580 : vector<1x16xf32> to vector<1x16xf32>
            %swap3A_582 = vector.shape_cast %mul3A_573 : vector<1x16xf32> to vector<1x16xf32>
            tpu.vector_store %swap3A_577[%swap3A_578, %swap3A_579], %swap3A_582 {strides = array<i32>} : memref<64x272xf32, #tpu.memory_space<vmem>>, vector<1x16xf32>,
            %slice3A_583 = vector.extract_strided_slice %mul3A_556 {offsets = [0, 2], sizes = [1, 1], strides = [1, 1]} : vector<1x16xf32> to vector<1x1xf32>
            %squeeze3A_584 = vector.extract %slice3A_583[0, 0] : f32 from vector<1x1xf32>
            %mul3A_585 = vector.broadcast %squeeze3A_584 : f32 to vector<1x16xf32>
            %mul3A_586 = arith.mulf %mul3A_523, %mul3A_585 : vector<1x16xf32>
            %swap3A_587 = arith.constant 0 : i32
            %swap3A_588 = arith.constant 0 : i32
            %swap3A_589 = tpu.memref_slice %run_scoped3A_22[%rem3A_362, %swap3A_587, %swap3A_588] : memref<2x64x272xf32, #tpu.memory_space<vmem>> -> memref<1x64x272xf32, #tpu.memory_space<vmem>>
            %swap3A_590 = tpu.memref_squeeze %swap3A_589 : memref<1x64x272xf32, #tpu.memory_space<vmem>> -> memref<64x272xf32, #tpu.memory_space<vmem>>
            %swap3A_591 = arith.index_cast %add3A_507 : i32 to index
            %swap3A_592 = arith.constant 48 : index
            %swap3A_593 = tpu.vector_load %swap3A_590[%swap3A_591, %swap3A_592] {strides = array<i32>} : memref<64x272xf32, #tpu.memory_space<vmem>>, vector<1x16xf32>,
            %swap3A_594 = vector.shape_cast %swap3A_593 : vector<1x16xf32> to vector<1x16xf32>
            %swap3A_595 = vector.shape_cast %mul3A_586 : vector<1x16xf32> to vector<1x16xf32>
            tpu.vector_store %swap3A_590[%swap3A_591, %swap3A_592], %swap3A_595 {strides = array<i32>} : memref<64x272xf32, #tpu.memory_space<vmem>>, vector<1x16xf32>,
            %slice3A_596 = vector.extract_strided_slice %mul3A_556 {offsets = [0, 3], sizes = [1, 1], strides = [1, 1]} : vector<1x16xf32> to vector<1x1xf32>
            %squeeze3A_597 = vector.extract %slice3A_596[0, 0] : f32 from vector<1x1xf32>
            %mul3A_598 = vector.broadcast %squeeze3A_597 : f32 to vector<1x16xf32>
            %mul3A_599 = arith.mulf %mul3A_523, %mul3A_598 : vector<1x16xf32>
            %swap3A_600 = arith.constant 0 : i32
            %swap3A_601 = arith.constant 0 : i32
            %swap3A_602 = tpu.memref_slice %run_scoped3A_22[%rem3A_362, %swap3A_600, %swap3A_601] : memref<2x64x272xf32, #tpu.memory_space<vmem>> -> memref<1x64x272xf32, #tpu.memory_space<vmem>>
            %swap3A_603 = tpu.memref_squeeze %swap3A_602 : memref<1x64x272xf32, #tpu.memory_space<vmem>> -> memref<64x272xf32, #tpu.memory_space<vmem>>
            %swap3A_604 = arith.index_cast %add3A_507 : i32 to index
            %swap3A_605 = arith.constant 64 : index
            %swap3A_606 = tpu.vector_load %swap3A_603[%swap3A_604, %swap3A_605] {strides = array<i32>} : memref<64x272xf32, #tpu.memory_space<vmem>>, vector<1x16xf32>,
            %swap3A_607 = vector.shape_cast %swap3A_606 : vector<1x16xf32> to vector<1x16xf32>
            %swap3A_608 = vector.shape_cast %mul3A_599 : vector<1x16xf32> to vector<1x16xf32>
            tpu.vector_store %swap3A_603[%swap3A_604, %swap3A_605], %swap3A_608 {strides = array<i32>} : memref<64x272xf32, #tpu.memory_space<vmem>>, vector<1x16xf32>,
            %slice3A_609 = vector.extract_strided_slice %mul3A_556 {offsets = [0, 4], sizes = [1, 1], strides = [1, 1]} : vector<1x16xf32> to vector<1x1xf32>
            %squeeze3A_610 = vector.extract %slice3A_609[0, 0] : f32 from vector<1x1xf32>
            %mul3A_611 = vector.broadcast %squeeze3A_610 : f32 to vector<1x16xf32>
            %mul3A_612 = arith.mulf %mul3A_523, %mul3A_611 : vector<1x16xf32>
            %swap3A_613 = arith.constant 0 : i32
            %swap3A_614 = arith.constant 0 : i32
            %swap3A_615 = tpu.memref_slice %run_scoped3A_22[%rem3A_362, %swap3A_613, %swap3A_614] : memref<2x64x272xf32, #tpu.memory_space<vmem>> -> memref<1x64x272xf32, #tpu.memory_space<vmem>>
            %swap3A_616 = tpu.memref_squeeze %swap3A_615 : memref<1x64x272xf32, #tpu.memory_space<vmem>> -> memref<64x272xf32, #tpu.memory_space<vmem>>
            %swap3A_617 = arith.index_cast %add3A_507 : i32 to index
            %swap3A_618 = arith.constant 80 : index
            %swap3A_619 = tpu.vector_load %swap3A_616[%swap3A_617, %swap3A_618] {strides = array<i32>} : memref<64x272xf32, #tpu.memory_space<vmem>>, vector<1x16xf32>,
            %swap3A_620 = vector.shape_cast %swap3A_619 : vector<1x16xf32> to vector<1x16xf32>
            %swap3A_621 = vector.shape_cast %mul3A_612 : vector<1x16xf32> to vector<1x16xf32>
            tpu.vector_store %swap3A_616[%swap3A_617, %swap3A_618], %swap3A_621 {strides = array<i32>} : memref<64x272xf32, #tpu.memory_space<vmem>>, vector<1x16xf32>,
            %slice3A_622 = vector.extract_strided_slice %mul3A_556 {offsets = [0, 5], sizes = [1, 1], strides = [1, 1]} : vector<1x16xf32> to vector<1x1xf32>
            %squeeze3A_623 = vector.extract %slice3A_622[0, 0] : f32 from vector<1x1xf32>
            %mul3A_624 = vector.broadcast %squeeze3A_623 : f32 to vector<1x16xf32>
            %mul3A_625 = arith.mulf %mul3A_523, %mul3A_624 : vector<1x16xf32>
            %swap3A_626 = arith.constant 0 : i32
            %swap3A_627 = arith.constant 0 : i32
            %swap3A_628 = tpu.memref_slice %run_scoped3A_22[%rem3A_362, %swap3A_626, %swap3A_627] : memref<2x64x272xf32, #tpu.memory_space<vmem>> -> memref<1x64x272xf32, #tpu.memory_space<vmem>>
            %swap3A_629 = tpu.memref_squeeze %swap3A_628 : memref<1x64x272xf32, #tpu.memory_space<vmem>> -> memref<64x272xf32, #tpu.memory_space<vmem>>
            %swap3A_630 = arith.index_cast %add3A_507 : i32 to index
            %swap3A_631 = arith.constant 96 : index
            %swap3A_632 = tpu.vector_load %swap3A_629[%swap3A_630, %swap3A_631] {strides = array<i32>} : memref<64x272xf32, #tpu.memory_space<vmem>>, vector<1x16xf32>,
            %swap3A_633 = vector.shape_cast %swap3A_632 : vector<1x16xf32> to vector<1x16xf32>
            %swap3A_634 = vector.shape_cast %mul3A_625 : vector<1x16xf32> to vector<1x16xf32>
            tpu.vector_store %swap3A_629[%swap3A_630, %swap3A_631], %swap3A_634 {strides = array<i32>} : memref<64x272xf32, #tpu.memory_space<vmem>>, vector<1x16xf32>,
            %slice3A_635 = vector.extract_strided_slice %mul3A_556 {offsets = [0, 6], sizes = [1, 1], strides = [1, 1]} : vector<1x16xf32> to vector<1x1xf32>
            %squeeze3A_636 = vector.extract %slice3A_635[0, 0] : f32 from vector<1x1xf32>
            %mul3A_637 = vector.broadcast %squeeze3A_636 : f32 to vector<1x16xf32>
            %mul3A_638 = arith.mulf %mul3A_523, %mul3A_637 : vector<1x16xf32>
            %swap3A_639 = arith.constant 0 : i32
            %swap3A_640 = arith.constant 0 : i32
            %swap3A_641 = tpu.memref_slice %run_scoped3A_22[%rem3A_362, %swap3A_639, %swap3A_640] : memref<2x64x272xf32, #tpu.memory_space<vmem>> -> memref<1x64x272xf32, #tpu.memory_space<vmem>>
            %swap3A_642 = tpu.memref_squeeze %swap3A_641 : memref<1x64x272xf32, #tpu.memory_space<vmem>> -> memref<64x272xf32, #tpu.memory_space<vmem>>
            %swap3A_643 = arith.index_cast %add3A_507 : i32 to index
            %swap3A_644 = arith.constant 112 : index
            %swap3A_645 = tpu.vector_load %swap3A_642[%swap3A_643, %swap3A_644] {strides = array<i32>} : memref<64x272xf32, #tpu.memory_space<vmem>>, vector<1x16xf32>,
            %swap3A_646 = vector.shape_cast %swap3A_645 : vector<1x16xf32> to vector<1x16xf32>
            %swap3A_647 = vector.shape_cast %mul3A_638 : vector<1x16xf32> to vector<1x16xf32>
            tpu.vector_store %swap3A_642[%swap3A_643, %swap3A_644], %swap3A_647 {strides = array<i32>} : memref<64x272xf32, #tpu.memory_space<vmem>>, vector<1x16xf32>,
            %slice3A_648 = vector.extract_strided_slice %mul3A_556 {offsets = [0, 7], sizes = [1, 1], strides = [1, 1]} : vector<1x16xf32> to vector<1x1xf32>
            %squeeze3A_649 = vector.extract %slice3A_648[0, 0] : f32 from vector<1x1xf32>
            %mul3A_650 = vector.broadcast %squeeze3A_649 : f32 to vector<1x16xf32>
            %mul3A_651 = arith.mulf %mul3A_523, %mul3A_650 : vector<1x16xf32>
            %swap3A_652 = arith.constant 0 : i32
            %swap3A_653 = arith.constant 0 : i32
            %swap3A_654 = tpu.memref_slice %run_scoped3A_22[%rem3A_362, %swap3A_652, %swap3A_653] : memref<2x64x272xf32, #tpu.memory_space<vmem>> -> memref<1x64x272xf32, #tpu.memory_space<vmem>>
            %swap3A_655 = tpu.memref_squeeze %swap3A_654 : memref<1x64x272xf32, #tpu.memory_space<vmem>> -> memref<64x272xf32, #tpu.memory_space<vmem>>
            %swap3A_656 = arith.index_cast %add3A_507 : i32 to index
            %swap3A_657 = arith.constant 128 : index
            %swap3A_658 = tpu.vector_load %swap3A_655[%swap3A_656, %swap3A_657] {strides = array<i32>} : memref<64x272xf32, #tpu.memory_space<vmem>>, vector<1x16xf32>,
            %swap3A_659 = vector.shape_cast %swap3A_658 : vector<1x16xf32> to vector<1x16xf32>
            %swap3A_660 = vector.shape_cast %mul3A_651 : vector<1x16xf32> to vector<1x16xf32>
            tpu.vector_store %swap3A_655[%swap3A_656, %swap3A_657], %swap3A_660 {strides = array<i32>} : memref<64x272xf32, #tpu.memory_space<vmem>>, vector<1x16xf32>,
            %slice3A_661 = vector.extract_strided_slice %mul3A_556 {offsets = [0, 8], sizes = [1, 1], strides = [1, 1]} : vector<1x16xf32> to vector<1x1xf32>
            %squeeze3A_662 = vector.extract %slice3A_661[0, 0] : f32 from vector<1x1xf32>
            %mul3A_663 = vector.broadcast %squeeze3A_662 : f32 to vector<1x16xf32>
            %mul3A_664 = arith.mulf %mul3A_523, %mul3A_663 : vector<1x16xf32>
            %swap3A_665 = arith.constant 0 : i32
            %swap3A_666 = arith.constant 0 : i32
            %swap3A_667 = tpu.memref_slice %run_scoped3A_22[%rem3A_362, %swap3A_665, %swap3A_666] : memref<2x64x272xf32, #tpu.memory_space<vmem>> -> memref<1x64x272xf32, #tpu.memory_space<vmem>>
            %swap3A_668 = tpu.memref_squeeze %swap3A_667 : memref<1x64x272xf32, #tpu.memory_space<vmem>> -> memref<64x272xf32, #tpu.memory_space<vmem>>
            %swap3A_669 = arith.index_cast %add3A_507 : i32 to index
            %swap3A_670 = arith.constant 144 : index
            %swap3A_671 = tpu.vector_load %swap3A_668[%swap3A_669, %swap3A_670] {strides = array<i32>} : memref<64x272xf32, #tpu.memory_space<vmem>>, vector<1x16xf32>,
            %swap3A_672 = vector.shape_cast %swap3A_671 : vector<1x16xf32> to vector<1x16xf32>
            %swap3A_673 = vector.shape_cast %mul3A_664 : vector<1x16xf32> to vector<1x16xf32>
            tpu.vector_store %swap3A_668[%swap3A_669, %swap3A_670], %swap3A_673 {strides = array<i32>} : memref<64x272xf32, #tpu.memory_space<vmem>>, vector<1x16xf32>,
            %slice3A_674 = vector.extract_strided_slice %mul3A_556 {offsets = [0, 9], sizes = [1, 1], strides = [1, 1]} : vector<1x16xf32> to vector<1x1xf32>
            %squeeze3A_675 = vector.extract %slice3A_674[0, 0] : f32 from vector<1x1xf32>
            %mul3A_676 = vector.broadcast %squeeze3A_675 : f32 to vector<1x16xf32>
            %mul3A_677 = arith.mulf %mul3A_523, %mul3A_676 : vector<1x16xf32>
            %swap3A_678 = arith.constant 0 : i32
            %swap3A_679 = arith.constant 0 : i32
            %swap3A_680 = tpu.memref_slice %run_scoped3A_22[%rem3A_362, %swap3A_678, %swap3A_679] : memref<2x64x272xf32, #tpu.memory_space<vmem>> -> memref<1x64x272xf32, #tpu.memory_space<vmem>>
            %swap3A_681 = tpu.memref_squeeze %swap3A_680 : memref<1x64x272xf32, #tpu.memory_space<vmem>> -> memref<64x272xf32, #tpu.memory_space<vmem>>
            %swap3A_682 = arith.index_cast %add3A_507 : i32 to index
            %swap3A_683 = arith.constant 160 : index
            %swap3A_684 = tpu.vector_load %swap3A_681[%swap3A_682, %swap3A_683] {strides = array<i32>} : memref<64x272xf32, #tpu.memory_space<vmem>>, vector<1x16xf32>,
            %swap3A_685 = vector.shape_cast %swap3A_684 : vector<1x16xf32> to vector<1x16xf32>
            %swap3A_686 = vector.shape_cast %mul3A_677 : vector<1x16xf32> to vector<1x16xf32>
            tpu.vector_store %swap3A_681[%swap3A_682, %swap3A_683], %swap3A_686 {strides = array<i32>} : memref<64x272xf32, #tpu.memory_space<vmem>>, vector<1x16xf32>,
            %slice3A_687 = vector.extract_strided_slice %mul3A_556 {offsets = [0, 10], sizes = [1, 1], strides = [1, 1]} : vector<1x16xf32> to vector<1x1xf32>
            %squeeze3A_688 = vector.extract %slice3A_687[0, 0] : f32 from vector<1x1xf32>
            %mul3A_689 = vector.broadcast %squeeze3A_688 : f32 to vector<1x16xf32>
            %mul3A_690 = arith.mulf %mul3A_523, %mul3A_689 : vector<1x16xf32>
            %swap3A_691 = arith.constant 0 : i32
            %swap3A_692 = arith.constant 0 : i32
            %swap3A_693 = tpu.memref_slice %run_scoped3A_22[%rem3A_362, %swap3A_691, %swap3A_692] : memref<2x64x272xf32, #tpu.memory_space<vmem>> -> memref<1x64x272xf32, #tpu.memory_space<vmem>>
            %swap3A_694 = tpu.memref_squeeze %swap3A_693 : memref<1x64x272xf32, #tpu.memory_space<vmem>> -> memref<64x272xf32, #tpu.memory_space<vmem>>
            %swap3A_695 = arith.index_cast %add3A_507 : i32 to index
            %swap3A_696 = arith.constant 176 : index
            %swap3A_697 = tpu.vector_load %swap3A_694[%swap3A_695, %swap3A_696] {strides = array<i32>} : memref<64x272xf32, #tpu.memory_space<vmem>>, vector<1x16xf32>,
            %swap3A_698 = vector.shape_cast %swap3A_697 : vector<1x16xf32> to vector<1x16xf32>
            %swap3A_699 = vector.shape_cast %mul3A_690 : vector<1x16xf32> to vector<1x16xf32>
            tpu.vector_store %swap3A_694[%swap3A_695, %swap3A_696], %swap3A_699 {strides = array<i32>} : memref<64x272xf32, #tpu.memory_space<vmem>>, vector<1x16xf32>,
            %slice3A_700 = vector.extract_strided_slice %mul3A_556 {offsets = [0, 11], sizes = [1, 1], strides = [1, 1]} : vector<1x16xf32> to vector<1x1xf32>
            %squeeze3A_701 = vector.extract %slice3A_700[0, 0] : f32 from vector<1x1xf32>
            %mul3A_702 = vector.broadcast %squeeze3A_701 : f32 to vector<1x16xf32>
            %mul3A_703 = arith.mulf %mul3A_523, %mul3A_702 : vector<1x16xf32>
            %swap3A_704 = arith.constant 0 : i32
            %swap3A_705 = arith.constant 0 : i32
            %swap3A_706 = tpu.memref_slice %run_scoped3A_22[%rem3A_362, %swap3A_704, %swap3A_705] : memref<2x64x272xf32, #tpu.memory_space<vmem>> -> memref<1x64x272xf32, #tpu.memory_space<vmem>>
            %swap3A_707 = tpu.memref_squeeze %swap3A_706 : memref<1x64x272xf32, #tpu.memory_space<vmem>> -> memref<64x272xf32, #tpu.memory_space<vmem>>
            %swap3A_708 = arith.index_cast %add3A_507 : i32 to index
            %swap3A_709 = arith.constant 192 : index
            %swap3A_710 = tpu.vector_load %swap3A_707[%swap3A_708, %swap3A_709] {strides = array<i32>} : memref<64x272xf32, #tpu.memory_space<vmem>>, vector<1x16xf32>,
            %swap3A_711 = vector.shape_cast %swap3A_710 : vector<1x16xf32> to vector<1x16xf32>
            %swap3A_712 = vector.shape_cast %mul3A_703 : vector<1x16xf32> to vector<1x16xf32>
            tpu.vector_store %swap3A_707[%swap3A_708, %swap3A_709], %swap3A_712 {strides = array<i32>} : memref<64x272xf32, #tpu.memory_space<vmem>>, vector<1x16xf32>,
            %slice3A_713 = vector.extract_strided_slice %mul3A_556 {offsets = [0, 12], sizes = [1, 1], strides = [1, 1]} : vector<1x16xf32> to vector<1x1xf32>
            %squeeze3A_714 = vector.extract %slice3A_713[0, 0] : f32 from vector<1x1xf32>
            %mul3A_715 = vector.broadcast %squeeze3A_714 : f32 to vector<1x16xf32>
            %mul3A_716 = arith.mulf %mul3A_523, %mul3A_715 : vector<1x16xf32>
            %swap3A_717 = arith.constant 0 : i32
            %swap3A_718 = arith.constant 0 : i32
            %swap3A_719 = tpu.memref_slice %run_scoped3A_22[%rem3A_362, %swap3A_717, %swap3A_718] : memref<2x64x272xf32, #tpu.memory_space<vmem>> -> memref<1x64x272xf32, #tpu.memory_space<vmem>>
            %swap3A_720 = tpu.memref_squeeze %swap3A_719 : memref<1x64x272xf32, #tpu.memory_space<vmem>> -> memref<64x272xf32, #tpu.memory_space<vmem>>
            %swap3A_721 = arith.index_cast %add3A_507 : i32 to index
            %swap3A_722 = arith.constant 208 : index
            %swap3A_723 = tpu.vector_load %swap3A_720[%swap3A_721, %swap3A_722] {strides = array<i32>} : memref<64x272xf32, #tpu.memory_space<vmem>>, vector<1x16xf32>,
            %swap3A_724 = vector.shape_cast %swap3A_723 : vector<1x16xf32> to vector<1x16xf32>
            %swap3A_725 = vector.shape_cast %mul3A_716 : vector<1x16xf32> to vector<1x16xf32>
            tpu.vector_store %swap3A_720[%swap3A_721, %swap3A_722], %swap3A_725 {strides = array<i32>} : memref<64x272xf32, #tpu.memory_space<vmem>>, vector<1x16xf32>,
            %slice3A_726 = vector.extract_strided_slice %mul3A_556 {offsets = [0, 13], sizes = [1, 1], strides = [1, 1]} : vector<1x16xf32> to vector<1x1xf32>
            %squeeze3A_727 = vector.extract %slice3A_726[0, 0] : f32 from vector<1x1xf32>
            %mul3A_728 = vector.broadcast %squeeze3A_727 : f32 to vector<1x16xf32>
            %mul3A_729 = arith.mulf %mul3A_523, %mul3A_728 : vector<1x16xf32>
            %swap3A_730 = arith.constant 0 : i32
            %swap3A_731 = arith.constant 0 : i32
            %swap3A_732 = tpu.memref_slice %run_scoped3A_22[%rem3A_362, %swap3A_730, %swap3A_731] : memref<2x64x272xf32, #tpu.memory_space<vmem>> -> memref<1x64x272xf32, #tpu.memory_space<vmem>>
            %swap3A_733 = tpu.memref_squeeze %swap3A_732 : memref<1x64x272xf32, #tpu.memory_space<vmem>> -> memref<64x272xf32, #tpu.memory_space<vmem>>
            %swap3A_734 = arith.index_cast %add3A_507 : i32 to index
            %swap3A_735 = arith.constant 224 : index
            %swap3A_736 = tpu.vector_load %swap3A_733[%swap3A_734, %swap3A_735] {strides = array<i32>} : memref<64x272xf32, #tpu.memory_space<vmem>>, vector<1x16xf32>,
            %swap3A_737 = vector.shape_cast %swap3A_736 : vector<1x16xf32> to vector<1x16xf32>
            %swap3A_738 = vector.shape_cast %mul3A_729 : vector<1x16xf32> to vector<1x16xf32>
            tpu.vector_store %swap3A_733[%swap3A_734, %swap3A_735], %swap3A_738 {strides = array<i32>} : memref<64x272xf32, #tpu.memory_space<vmem>>, vector<1x16xf32>,
            %slice3A_739 = vector.extract_strided_slice %mul3A_556 {offsets = [0, 14], sizes = [1, 1], strides = [1, 1]} : vector<1x16xf32> to vector<1x1xf32>
            %squeeze3A_740 = vector.extract %slice3A_739[0, 0] : f32 from vector<1x1xf32>
            %mul3A_741 = vector.broadcast %squeeze3A_740 : f32 to vector<1x16xf32>
            %mul3A_742 = arith.mulf %mul3A_523, %mul3A_741 : vector<1x16xf32>
            %swap3A_743 = arith.constant 0 : i32
            %swap3A_744 = arith.constant 0 : i32
            %swap3A_745 = tpu.memref_slice %run_scoped3A_22[%rem3A_362, %swap3A_743, %swap3A_744] : memref<2x64x272xf32, #tpu.memory_space<vmem>> -> memref<1x64x272xf32, #tpu.memory_space<vmem>>
            %swap3A_746 = tpu.memref_squeeze %swap3A_745 : memref<1x64x272xf32, #tpu.memory_space<vmem>> -> memref<64x272xf32, #tpu.memory_space<vmem>>
            %swap3A_747 = arith.index_cast %add3A_507 : i32 to index
            %swap3A_748 = arith.constant 240 : index
            %swap3A_749 = tpu.vector_load %swap3A_746[%swap3A_747, %swap3A_748] {strides = array<i32>} : memref<64x272xf32, #tpu.memory_space<vmem>>, vector<1x16xf32>,
            %swap3A_750 = vector.shape_cast %swap3A_749 : vector<1x16xf32> to vector<1x16xf32>
            %swap3A_751 = vector.shape_cast %mul3A_742 : vector<1x16xf32> to vector<1x16xf32>
            tpu.vector_store %swap3A_746[%swap3A_747, %swap3A_748], %swap3A_751 {strides = array<i32>} : memref<64x272xf32, #tpu.memory_space<vmem>>, vector<1x16xf32>,
            %slice3A_752 = vector.extract_strided_slice %mul3A_556 {offsets = [0, 15], sizes = [1, 1], strides = [1, 1]} : vector<1x16xf32> to vector<1x1xf32>
            %squeeze3A_753 = vector.extract %slice3A_752[0, 0] : f32 from vector<1x1xf32>
            %mul3A_754 = vector.broadcast %squeeze3A_753 : f32 to vector<1x16xf32>
            %mul3A_755 = arith.mulf %mul3A_523, %mul3A_754 : vector<1x16xf32>
            %swap3A_756 = arith.constant 0 : i32
            %swap3A_757 = arith.constant 0 : i32
            %swap3A_758 = tpu.memref_slice %run_scoped3A_22[%rem3A_362, %swap3A_756, %swap3A_757] : memref<2x64x272xf32, #tpu.memory_space<vmem>> -> memref<1x64x272xf32, #tpu.memory_space<vmem>>
            %swap3A_759 = tpu.memref_squeeze %swap3A_758 : memref<1x64x272xf32, #tpu.memory_space<vmem>> -> memref<64x272xf32, #tpu.memory_space<vmem>>
            %swap3A_760 = arith.index_cast %add3A_507 : i32 to index
            %swap3A_761 = arith.constant 256 : index
            %swap3A_762 = tpu.vector_load %swap3A_759[%swap3A_760, %swap3A_761] {strides = array<i32>} : memref<64x272xf32, #tpu.memory_space<vmem>>, vector<1x16xf32>,
            %swap3A_763 = vector.shape_cast %swap3A_762 : vector<1x16xf32> to vector<1x16xf32>
            %swap3A_764 = vector.shape_cast %mul3A_755 : vector<1x16xf32> to vector<1x16xf32>
            tpu.vector_store %swap3A_759[%swap3A_760, %swap3A_761], %swap3A_764 {strides = array<i32>} : memref<64x272xf32, #tpu.memory_space<vmem>>, vector<1x16xf32>,
          }
          %scan3A_366 = arith.constant 64 : i32
          "tpu.trace_stop"() : () -> ()
          %ne3A_367 = arith.cmpi ne, %add3A_221, %add3A_239 : i32
          %or3A_368 = arith.constant false
          %or3A_369 = arith.ori %or3A_368, %ne3A_367 : i1
          %or3A_370 = arith.constant false
          %or3A_371 = arith.ori %or3A_369, %or3A_370 : i1
          %or3A_372 = arith.ori %or3A_371, %eq3A_220 : i1
          %convert_element_type3A_373 = arith.extui %or3A_372 : i1 to i32
          %cond3A_374 = arith.constant 0 : i32
          %cond3A_375 = arith.cmpi ne, %convert_element_type3A_373, %cond3A_374 : i32
          scf.if %cond3A_375 {
          } else {
          }
          %and3A_376 = arith.constant false
          %and3A_377 = arith.andi %or3A_372, %and3A_376 : i1
          %ne3A_378 = arith.cmpi ne, %add3A_221, %add3A_239 : i32
          %or3A_379 = arith.constant false
          %or3A_380 = arith.ori %or3A_379, %ne3A_378 : i1
          %or3A_381 = arith.constant false
          %or3A_382 = arith.ori %or3A_380, %or3A_381 : i1
          %or3A_383 = arith.ori %or3A_382, %eq3A_220 : i1
          %convert_element_type3A_384 = arith.extui %or3A_383 : i1 to i32
          %cond3A_385 = arith.constant 0 : i32
          %cond3A_386 = arith.cmpi ne, %convert_element_type3A_384, %cond3A_385 : i32
          scf.if %cond3A_386 {
          } else {
          }
          %and3A_387 = arith.constant false
          %and3A_388 = arith.andi %or3A_383, %and3A_387 : i1
          %ne3A_389 = arith.cmpi ne, %add3A_221, %add3A_239 : i32
          %or3A_390 = arith.constant false
          %or3A_391 = arith.ori %or3A_390, %ne3A_389 : i1
          %or3A_392 = arith.constant false
          %or3A_393 = arith.ori %or3A_391, %or3A_392 : i1
          %or3A_394 = arith.ori %or3A_393, %eq3A_220 : i1
          %convert_element_type3A_395 = arith.extui %or3A_394 : i1 to i32
          %cond3A_396 = arith.constant 0 : i32
          %cond3A_397 = arith.cmpi ne, %convert_element_type3A_395, %cond3A_396 : i32
          scf.if %cond3A_397 {
          } else {
          }
          %and3A_398 = arith.constant false
          %and3A_399 = arith.andi %or3A_394, %and3A_398 : i1
          %ne3A_400 = arith.cmpi ne, %add3A_221, %add3A_239 : i32
          %or3A_401 = arith.constant false
          %or3A_402 = arith.ori %or3A_401, %ne3A_400 : i1
          %or3A_403 = arith.constant false
          %or3A_404 = arith.ori %or3A_402, %or3A_403 : i1
          %or3A_405 = arith.ori %or3A_404, %eq3A_220 : i1
          %convert_element_type3A_406 = arith.extui %or3A_405 : i1 to i32
          %cond3A_407 = arith.constant 0 : i32
          %cond3A_408 = arith.cmpi ne, %convert_element_type3A_406, %cond3A_407 : i32
          scf.if %cond3A_408 {
            "tpu.trace_start"() <{level = 10 : i32, message = "ep_copy_out"}> : () -> ()
            %rem3A_503 = arith.constant 2 : i32
            %rem3A_504 = arith.remui %while3A_211, %rem3A_503 : i32
            %mul3A_505 = arith.constant 64 : i32
            %mul3A_506 = arith.muli %mul3A_505, %add3A_221 : i32
            %dma_start3A_507 = arith.constant 0 : i32
            %dma_start3A_508 = arith.constant 0 : i32
            %dma_start3A_509 = tpu.memref_slice %run_scoped3A_22[%rem3A_504, %dma_start3A_507, %dma_start3A_508] : memref<2x64x272xf32, #tpu.memory_space<vmem>> -> memref<1x64x272xf32, #tpu.memory_space<vmem>>
            %dma_start3A_510 = tpu.memref_squeeze %dma_start3A_509 : memref<1x64x272xf32, #tpu.memory_space<vmem>> -> memref<64x272xf32, #tpu.memory_space<vmem>>
            %dma_start3A_511 = arith.constant 0 : i32
            %dma_start3A_512 = tpu.memref_slice %arg5[%mul3A_506, %dma_start3A_511] : memref<160000x272xf32, #tpu.memory_space<hbm>> -> memref<64x272xf32, #tpu.memory_space<hbm>>
            %dma_start3A_513 = tpu.memref_slice %run_scoped3A_23[%rem3A_504] : memref<2x!tpu.dma_semaphore, #tpu.memory_space<semaphore_mem>> -> memref<1x!tpu.dma_semaphore, #tpu.memory_space<semaphore_mem>>
            %dma_start3A_514 = tpu.memref_squeeze %dma_start3A_513 : memref<1x!tpu.dma_semaphore, #tpu.memory_space<semaphore_mem>> -> memref<!tpu.dma_semaphore, #tpu.memory_space<semaphore_mem>>
            %dma_start3A_515 = arith.constant 0 : i32
            %dma_start3A_516 = tpu.memref_slice %arg5[%mul3A_506, %dma_start3A_515] : memref<160000x272xf32, #tpu.memory_space<hbm>> -> memref<64x272xf32, #tpu.memory_space<hbm>>
            %dma_start3A_517 = arith.constant 0 : i32
            %dma_start3A_518 = arith.constant 0 : i32
            %dma_start3A_519 = tpu.memref_slice %run_scoped3A_22[%rem3A_504, %dma_start3A_517, %dma_start3A_518] : memref<2x64x272xf32, #tpu.memory_space<vmem>> -> memref<1x64x272xf32, #tpu.memory_space<vmem>>
            %dma_start3A_520 = tpu.memref_squeeze %dma_start3A_519 : memref<1x64x272xf32, #tpu.memory_space<vmem>> -> memref<64x272xf32, #tpu.memory_space<vmem>>
            tpu.enqueue_dma source(%dma_start3A_520 : memref<64x272xf32, #tpu.memory_space<vmem>>) target(%dma_start3A_516 : memref<64x272xf32, #tpu.memory_space<hbm>>) target_semaphore(%dma_start3A_514 : memref<!tpu.dma_semaphore, #tpu.memory_space<semaphore_mem>>)
            "tpu.trace_stop"() : () -> ()
          } else {
          }
          %and3A_409 = arith.constant true
          %and3A_410 = arith.andi %or3A_405, %and3A_409 : i1
          %add3A_411 = arith.constant 1 : i32
          %add3A_412 = arith.addi %while3A_211, %add3A_411 : i32
          %select_n3A_413 = arith.select %and3A_410, %add3A_412, %while3A_211 : i32
          %ne3A_414 = arith.cmpi ne, %add3A_221, %add3A_231 : i32
          %or3A_415 = arith.constant false
          %or3A_416 = arith.ori %or3A_415, %ne3A_414 : i1
          %or3A_417 = arith.constant false
          %or3A_418 = arith.ori %or3A_416, %or3A_417 : i1
          %not3A_419 = arith.constant true
          %not3A_420 = arith.xori %eq3A_217, %not3A_419 : i1
          %and3A_421 = arith.andi %or3A_418, %not3A_420 : i1
          %convert_element_type3A_422 = arith.extui %and3A_421 : i1 to i32
          %cond3A_423 = arith.constant 0 : i32
          %cond3A_424 = arith.cmpi ne, %convert_element_type3A_422, %cond3A_423 : i32
          scf.if %cond3A_424 {
          } else {
          }
          %and3A_425 = arith.constant false
          %and3A_426 = arith.andi %and3A_421, %and3A_425 : i1
          %ne3A_427 = arith.cmpi ne, %add3A_221, %add3A_231 : i32
          %or3A_428 = arith.constant false
          %or3A_429 = arith.ori %or3A_428, %ne3A_427 : i1
          %or3A_430 = arith.constant false
          %or3A_431 = arith.ori %or3A_429, %or3A_430 : i1
          %not3A_432 = arith.constant true
          %not3A_433 = arith.xori %eq3A_217, %not3A_432 : i1
          %and3A_434 = arith.andi %or3A_431, %not3A_433 : i1
          %convert_element_type3A_435 = arith.extui %and3A_434 : i1 to i32
          %cond3A_436 = arith.constant 0 : i32
          %cond3A_437 = arith.cmpi ne, %convert_element_type3A_435, %cond3A_436 : i32
          scf.if %cond3A_437 {
          } else {
          }
          %and3A_438 = arith.constant false
          %and3A_439 = arith.andi %and3A_434, %and3A_438 : i1
          %ne3A_440 = arith.cmpi ne, %add3A_221, %add3A_231 : i32
          %or3A_441 = arith.constant false
          %or3A_442 = arith.ori %or3A_441, %ne3A_440 : i1
          %or3A_443 = arith.constant false
          %or3A_444 = arith.ori %or3A_442, %or3A_443 : i1
          %not3A_445 = arith.constant true
          %not3A_446 = arith.xori %eq3A_217, %not3A_445 : i1
          %and3A_447 = arith.andi %or3A_444, %not3A_446 : i1
          %convert_element_type3A_448 = arith.extui %and3A_447 : i1 to i32
          %cond3A_449 = arith.constant 0 : i32
          %cond3A_450 = arith.cmpi ne, %convert_element_type3A_448, %cond3A_449 : i32
          scf.if %cond3A_450 {
          } else {
          }
          %and3A_451 = arith.constant false
          %and3A_452 = arith.andi %and3A_447, %and3A_451 : i1
          %ne3A_453 = arith.cmpi ne, %add3A_221, %add3A_231 : i32
          %or3A_454 = arith.constant false
          %or3A_455 = arith.ori %or3A_454, %ne3A_453 : i1
          %or3A_456 = arith.constant false
          %or3A_457 = arith.ori %or3A_455, %or3A_456 : i1
          %not3A_458 = arith.constant true
          %not3A_459 = arith.xori %eq3A_217, %not3A_458 : i1
          %and3A_460 = arith.andi %or3A_457, %not3A_459 : i1
          %convert_element_type3A_461 = arith.extui %and3A_460 : i1 to i32
          %cond3A_462 = arith.constant 0 : i32
          %cond3A_463 = arith.cmpi ne, %convert_element_type3A_461, %cond3A_462 : i32
          scf.if %cond3A_463 {
            "tpu.trace_start"() <{level = 10 : i32, message = "ep_wait_out"}> : () -> ()
            %rem3A_503 = arith.constant 2 : i32
            %rem3A_504 = arith.remui %while3A_212, %rem3A_503 : i32
            %mul3A_505 = arith.constant 64 : i32
            %mul3A_506 = arith.muli %mul3A_505, %add3A_231 : i32
            %dma_wait3A = arith.constant 0 : i32
            %dma_wait3A_507 = arith.constant 0 : i32
            %dma_wait3A_508 = tpu.memref_slice %run_scoped3A_22[%rem3A_504, %dma_wait3A, %dma_wait3A_507] : memref<2x64x272xf32, #tpu.memory_space<vmem>> -> memref<1x64x272xf32, #tpu.memory_space<vmem>>
            %dma_wait3A_509 = tpu.memref_squeeze %dma_wait3A_508 : memref<1x64x272xf32, #tpu.memory_space<vmem>> -> memref<64x272xf32, #tpu.memory_space<vmem>>
            %dma_wait3A_510 = arith.constant 0 : i32
            %dma_wait3A_511 = tpu.memref_slice %arg5[%mul3A_506, %dma_wait3A_510] : memref<160000x272xf32, #tpu.memory_space<hbm>> -> memref<64x272xf32, #tpu.memory_space<hbm>>
            %dma_wait3A_512 = tpu.memref_slice %run_scoped3A_23[%rem3A_504] : memref<2x!tpu.dma_semaphore, #tpu.memory_space<semaphore_mem>> -> memref<1x!tpu.dma_semaphore, #tpu.memory_space<semaphore_mem>>
            %dma_wait3A_513 = tpu.memref_squeeze %dma_wait3A_512 : memref<1x!tpu.dma_semaphore, #tpu.memory_space<semaphore_mem>> -> memref<!tpu.dma_semaphore, #tpu.memory_space<semaphore_mem>>
            %dma_wait3A_514 = arith.constant 0 : i32
            %dma_wait3A_515 = tpu.memref_slice %arg5[%mul3A_506, %dma_wait3A_514] : memref<160000x272xf32, #tpu.memory_space<hbm>> -> memref<64x272xf32, #tpu.memory_space<hbm>>
            %dma_wait3A_516 = arith.constant 0 : i32
            %dma_wait3A_517 = arith.constant 0 : i32
            %dma_wait3A_518 = tpu.memref_slice %run_scoped3A_22[%rem3A_504, %dma_wait3A_516, %dma_wait3A_517] : memref<2x64x272xf32, #tpu.memory_space<vmem>> -> memref<1x64x272xf32, #tpu.memory_space<vmem>>
            %dma_wait3A_519 = tpu.memref_squeeze %dma_wait3A_518 : memref<1x64x272xf32, #tpu.memory_space<vmem>> -> memref<64x272xf32, #tpu.memory_space<vmem>>
            tpu.wait_dma2 semaphore(%dma_wait3A_513 : memref<!tpu.dma_semaphore, #tpu.memory_space<semaphore_mem>>) src(%dma_wait3A_519 : memref<64x272xf32, #tpu.memory_space<vmem>>) dst(%dma_wait3A_515 : memref<64x272xf32, #tpu.memory_space<hbm>>)
            "tpu.trace_stop"() : () -> ()
          } else {
          }
          %and3A_464 = arith.constant true
          %and3A_465 = arith.andi %and3A_460, %and3A_464 : i1
          %add3A_466 = arith.constant 1 : i32
          %add3A_467 = arith.addi %while3A_212, %add3A_466 : i32
          %select_n3A_468 = arith.select %and3A_465, %add3A_467, %while3A_212 : i32
          %ne3A_469 = arith.cmpi ne, %add3A_221, %add3A_239 : i32
          %or3A_470 = arith.constant false
          %or3A_471 = arith.ori %or3A_470, %ne3A_469 : i1
          %or3A_472 = arith.constant false
          %or3A_473 = arith.ori %or3A_471, %or3A_472 : i1
          %or3A_474 = arith.ori %or3A_473, %eq3A_220 : i1
          %add3A_475 = arith.constant 1 : i32
          %add3A_476 = arith.addi %while3A_206, %add3A_475 : i32
          %select_n3A_477 = arith.select %or3A_474, %add3A_476, %while3A_206 : i32
          %ne3A_478 = arith.cmpi ne, %add3A_221, %add3A_239 : i32
          %or3A_479 = arith.constant false
          %or3A_480 = arith.ori %or3A_479, %ne3A_478 : i1
          %or3A_481 = arith.constant false
          %or3A_482 = arith.ori %or3A_480, %or3A_481 : i1
          %or3A_483 = arith.ori %or3A_482, %eq3A_220 : i1
          %add3A_484 = arith.constant 1 : i32
          %add3A_485 = arith.addi %while3A_208, %add3A_484 : i32
          %select_n3A_486 = arith.select %or3A_483, %add3A_485, %while3A_208 : i32
          %ne3A_487 = arith.cmpi ne, %add3A_221, %add3A_239 : i32
          %or3A_488 = arith.constant false
          %or3A_489 = arith.ori %or3A_488, %ne3A_487 : i1
          %or3A_490 = arith.constant false
          %or3A_491 = arith.ori %or3A_489, %or3A_490 : i1
          %or3A_492 = arith.ori %or3A_491, %eq3A_220 : i1
          %add3A_493 = arith.constant 1 : i32
          %add3A_494 = arith.addi %while3A_210, %add3A_493 : i32
          %select_n3A_495 = arith.select %or3A_492, %add3A_494, %while3A_210 : i32
          %add3A_496 = arith.constant 1 : i32
          %add3A_497 = arith.addi %while3A_213, %add3A_496 : i32
          %select_n3A_498 = arith.constant true
          %select_n3A_499 = arith.select %select_n3A_498, %add3A_497, %while3A_213 : i32
          %eq3A_500 = arith.cmpi eq, %select_n3A_499, %select_n3A : i32
          %select_n3A_501 = arith.constant 0 : i32
          %select_n3A_502 = arith.select %eq3A_500, %select_n3A_501, %select_n3A_499 : i32
          scf.yield %select_n3A_263, %select_n3A_477, %select_n3A_284, %select_n3A_486, %select_n3A_305, %select_n3A_495, %select_n3A_413, %select_n3A_468, %select_n3A_502 : i32, i32, i32, i32, i32, i32, i32, i32, i32
        }
        %sub3A_147 = arith.constant 1 : i32
        %sub3A_148 = arith.subi %while3A_146#8, %sub3A_147 : i32
        %select_n3A_149 = arith.constant true
        %select_n3A_150 = arith.select %select_n3A_149, %sub3A_148, %while3A_146#8 : i32
        %eq3A_151 = arith.constant -1 : i32
        %eq3A_152 = arith.cmpi eq, %select_n3A_150, %eq3A_151 : i32
        %sub3A_153 = arith.constant 1 : i32
        %sub3A_154 = arith.subi %select_n3A, %sub3A_153 : i32
        %select_n3A_155 = arith.select %eq3A_152, %sub3A_154, %select_n3A_150 : i32
        %sub3A_156 = arith.constant 1 : i32
        %sub3A_157 = arith.subi %mul3A_16, %sub3A_156 : i32
        %mul3A_158 = arith.constant 1 : i32
        %mul3A_159 = arith.muli %mul3A_158, %select_n3A : i32
        %eq3A_160 = arith.constant 0 : i32
        %eq3A_161 = arith.cmpi eq, %sub3A_157, %eq3A_160 : i32
        %sub3A_162 = arith.constant 1 : i32
        %sub3A_163 = arith.subi %mul3A_159, %sub3A_162 : i32
        %eq3A_164 = arith.cmpi eq, %sub3A_157, %sub3A_163 : i32
        %add3A_165 = arith.addi %select_n3A_155, %select_n3A_14 : i32
        %sub3A_166 = arith.constant 1 : i32
        %sub3A_167 = arith.subi %select_n3A_155, %sub3A_166 : i32
        %select_n3A_168 = arith.constant true
        %select_n3A_169 = arith.select %select_n3A_168, %sub3A_167, %select_n3A_155 : i32
        %eq3A_170 = arith.constant -1 : i32
        %eq3A_171 = arith.cmpi eq, %select_n3A_169, %eq3A_170 : i32
        %sub3A_172 = arith.constant 1 : i32
        %sub3A_173 = arith.subi %select_n3A, %sub3A_172 : i32
        %select_n3A_174 = arith.select %eq3A_171, %sub3A_173, %select_n3A_169 : i32
        %add3A_175 = arith.addi %select_n3A_174, %select_n3A_14 : i32
        %add3A_176 = arith.constant 1 : i32
        %add3A_177 = arith.addi %select_n3A_155, %add3A_176 : i32
        %select_n3A_178 = arith.constant true
        %select_n3A_179 = arith.select %select_n3A_178, %add3A_177, %select_n3A_155 : i32
        %eq3A_180 = arith.cmpi eq, %select_n3A_179, %select_n3A : i32
        %select_n3A_181 = arith.constant 0 : i32
        %select_n3A_182 = arith.select %eq3A_180, %select_n3A_181, %select_n3A_179 : i32
        %add3A_183 = arith.addi %select_n3A_182, %select_n3A_14 : i32
        %add3A_184 = arith.constant 1 : i32
        %add3A_185 = arith.addi %select_n3A_182, %add3A_184 : i32
        %select_n3A_186 = arith.constant true
        %select_n3A_187 = arith.select %select_n3A_186, %add3A_185, %select_n3A_182 : i32
        %eq3A_188 = arith.cmpi eq, %select_n3A_187, %select_n3A : i32
        %select_n3A_189 = arith.constant 0 : i32
        %select_n3A_190 = arith.select %eq3A_188, %select_n3A_189, %select_n3A_187 : i32
        %add3A_191 = arith.addi %select_n3A_190, %select_n3A_14 : i32
        %convert_element_type3A_192 = arith.extui %eq3A_164 : i1 to i32
        %cond3A_193 = arith.constant 0 : i32
        %cond3A_194 = arith.cmpi ne, %convert_element_type3A_192, %cond3A_193 : i32
        scf.if %cond3A_194 {
        } else {
        }
        %convert_element_type3A_195 = arith.extui %eq3A_164 : i1 to i32
        %cond3A_196 = arith.constant 0 : i32
        %cond3A_197 = arith.cmpi ne, %convert_element_type3A_195, %cond3A_196 : i32
        scf.if %cond3A_197 {
        } else {
        }
        %convert_element_type3A_198 = arith.extui %eq3A_164 : i1 to i32
        %cond3A_199 = arith.constant 0 : i32
        %cond3A_200 = arith.cmpi ne, %convert_element_type3A_198, %cond3A_199 : i32
        scf.if %cond3A_200 {
        } else {
        }
        %convert_element_type3A_201 = arith.extui %eq3A_164 : i1 to i32
        %cond3A_202 = arith.constant 0 : i32
        %cond3A_203 = arith.cmpi ne, %convert_element_type3A_201, %cond3A_202 : i32
        scf.if %cond3A_203 {
          "tpu.trace_start"() <{level = 10 : i32, message = "ep_finalize"}> : () -> ()
          %rem3A_204 = arith.constant 2 : i32
          %rem3A_205 = arith.remui %while3A_146#7, %rem3A_204 : i32
          %mul3A_206 = arith.constant 64 : i32
          %mul3A_207 = arith.muli %mul3A_206, %add3A_165 : i32
          %dma_wait3A = arith.constant 0 : i32
          %dma_wait3A_208 = arith.constant 0 : i32
          %dma_wait3A_209 = tpu.memref_slice %run_scoped3A_22[%rem3A_205, %dma_wait3A, %dma_wait3A_208] : memref<2x64x272xf32, #tpu.memory_space<vmem>> -> memref<1x64x272xf32, #tpu.memory_space<vmem>>
          %dma_wait3A_210 = tpu.memref_squeeze %dma_wait3A_209 : memref<1x64x272xf32, #tpu.memory_space<vmem>> -> memref<64x272xf32, #tpu.memory_space<vmem>>
          %dma_wait3A_211 = arith.constant 0 : i32
          %dma_wait3A_212 = tpu.memref_slice %arg5[%mul3A_207, %dma_wait3A_211] : memref<160000x272xf32, #tpu.memory_space<hbm>> -> memref<64x272xf32, #tpu.memory_space<hbm>>
          %dma_wait3A_213 = tpu.memref_slice %run_scoped3A_23[%rem3A_205] : memref<2x!tpu.dma_semaphore, #tpu.memory_space<semaphore_mem>> -> memref<1x!tpu.dma_semaphore, #tpu.memory_space<semaphore_mem>>
          %dma_wait3A_214 = tpu.memref_squeeze %dma_wait3A_213 : memref<1x!tpu.dma_semaphore, #tpu.memory_space<semaphore_mem>> -> memref<!tpu.dma_semaphore, #tpu.memory_space<semaphore_mem>>
          %dma_wait3A_215 = arith.constant 0 : i32
          %dma_wait3A_216 = tpu.memref_slice %arg5[%mul3A_207, %dma_wait3A_215] : memref<160000x272xf32, #tpu.memory_space<hbm>> -> memref<64x272xf32, #tpu.memory_space<hbm>>
          %dma_wait3A_217 = arith.constant 0 : i32
          %dma_wait3A_218 = arith.constant 0 : i32
          %dma_wait3A_219 = tpu.memref_slice %run_scoped3A_22[%rem3A_205, %dma_wait3A_217, %dma_wait3A_218] : memref<2x64x272xf32, #tpu.memory_space<vmem>> -> memref<1x64x272xf32, #tpu.memory_space<vmem>>
          %dma_wait3A_220 = tpu.memref_squeeze %dma_wait3A_219 : memref<1x64x272xf32, #tpu.memory_space<vmem>> -> memref<64x272xf32, #tpu.memory_space<vmem>>
          tpu.wait_dma2 semaphore(%dma_wait3A_214 : memref<!tpu.dma_semaphore, #tpu.memory_space<semaphore_mem>>) src(%dma_wait3A_220 : memref<64x272xf32, #tpu.memory_space<vmem>>) dst(%dma_wait3A_216 : memref<64x272xf32, #tpu.memory_space<hbm>>)
          "tpu.trace_stop"() : () -> ()
        } else {
        }
      } else {
      }
      tpu.yield
    }) : () -> ()
    return
  }
}

module attributes {stable_mosaic.version = 14 : i64} {
  func.func @_hp_kernel(%arg0: i32, %arg1: memref<2000x3xf32, #tpu.memory_space<vmem>>, %arg2: memref<2000x16xf32, #tpu.memory_space<vmem>>, %arg3: memref<2000x16xf32, #tpu.memory_space<vmem>>, %arg4: memref<2000x3x256xf32, #tpu.memory_space<vmem>>) attributes {dimension_semantics = [#tpu.dimension_semantics<parallel>], iteration_bounds = array<i64: 80>, scalar_prefetch = 0 : i64, scratch_operands = 0 : i64, tpu.core_type = #tpu.core_type<tc>, window_params = [{transform_indices = @transform_0, window_bounds = array<i64: 2000, 3>}, {transform_indices = @transform_1, window_bounds = array<i64: 2000, 16>}, {transform_indices = @transform_2, window_bounds = array<i64: 2000, 16>}, {transform_indices = @transform_3, window_bounds = array<i64: 2000, 3, 256>}]} {
    %get3A = arith.constant 0 : index
    %get3A_0 = arith.constant 0 : index
    %get3A_1 = vector.load %arg2[%get3A, %get3A_0] : memref<2000x16xf32, #tpu.memory_space<vmem>>, vector<2000x16xf32>
    %get3A_2 = arith.constant 0 : index
    %get3A_3 = arith.constant 0 : index
    %get3A_4 = vector.load %arg3[%get3A_2, %get3A_3] : memref<2000x16xf32, #tpu.memory_space<vmem>>, vector<2000x16xf32>
    %mul3A = arith.mulf %get3A_1, %get3A_4 : vector<2000x16xf32>
    %get3A_5 = arith.constant 0 : index
    %get3A_6 = arith.constant 0 : index
    %get3A_7 = vector.load %arg1[%get3A_5, %get3A_6] : memref<2000x3xf32, #tpu.memory_space<vmem>>, vector<2000x3xf32>
    %iota3A = tpu.iota {dimensions = array<i32: 1>} : vector<2000x256xi32>
    %jit3A = arith.constant 16 : i32
    %div3A = vector.broadcast %jit3A : i32 to vector<2000x256xi32>
    %div3A_8 = arith.divsi %iota3A, %div3A : vector<2000x256xi32>
    %sign3A = arith.constant 0 : i32
    %sign3A_9 = vector.broadcast %sign3A : i32 to vector<2000x256xi32>
    %sign3A_10 = arith.cmpi sgt, %iota3A, %sign3A_9 : vector<2000x256xi32>
    %sign3A_11 = arith.extui %sign3A_10 : vector<2000x256xi1> to vector<2000x256xi32>
    %sign3A_12 = arith.constant 0 : i32
    %sign3A_13 = vector.broadcast %sign3A_12 : i32 to vector<2000x256xi32>
    %sign3A_14 = arith.cmpi slt, %iota3A, %sign3A_13 : vector<2000x256xi32>
    %sign3A_15 = arith.extui %sign3A_14 : vector<2000x256xi1> to vector<2000x256xi32>
    %sign3A_16 = arith.subi %sign3A_11, %sign3A_15 : vector<2000x256xi32>
    %sign3A_17 = arith.constant 0 : i32
    %sign3A_18 = arith.cmpi sgt, %jit3A, %sign3A_17 : i32
    %sign3A_19 = arith.extui %sign3A_18 : i1 to i32
    %sign3A_20 = arith.constant 0 : i32
    %sign3A_21 = arith.cmpi slt, %jit3A, %sign3A_20 : i32
    %sign3A_22 = arith.extui %sign3A_21 : i1 to i32
    %sign3A_23 = arith.subi %sign3A_19, %sign3A_22 : i32
    %ne3A = vector.broadcast %sign3A_23 : i32 to vector<2000x256xi32>
    %ne3A_24 = arith.cmpi ne, %sign3A_16, %ne3A : vector<2000x256xi32>
    %rem3A = vector.broadcast %jit3A : i32 to vector<2000x256xi32>
    %rem3A_25 = arith.remsi %iota3A, %rem3A : vector<2000x256xi32>
    %ne3A_26 = arith.constant 0 : i32
    %ne3A_27 = vector.broadcast %ne3A_26 : i32 to vector<2000x256xi32>
    %ne3A_28 = arith.cmpi ne, %rem3A_25, %ne3A_27 : vector<2000x256xi32>
    %and3A = arith.andi %ne3A_24, %ne3A_28 : vector<2000x256xi1>
    %sub3A = arith.constant 1 : i32
    %sub3A_29 = vector.broadcast %sub3A : i32 to vector<2000x256xi32>
    %sub3A_30 = arith.subi %div3A_8, %sub3A_29 : vector<2000x256xi32>
    %select_n3A = arith.select %and3A, %sub3A_30, %div3A_8 : vector<2000x256xi1>, vector<2000x256xi32>
    %lt3A = arith.constant 0 : i32
    %lt3A_31 = vector.broadcast %lt3A : i32 to vector<2000x256xi32>
    %lt3A_32 = arith.cmpi slt, %select_n3A, %lt3A_31 : vector<2000x256xi32>
    %add3A = arith.constant 16 : i32
    %add3A_33 = vector.broadcast %add3A : i32 to vector<2000x256xi32>
    %add3A_34 = arith.addi %select_n3A, %add3A_33 : vector<2000x256xi32>
    %select_n3A_35 = arith.select %lt3A_32, %add3A_34, %select_n3A : vector<2000x256xi1>, vector<2000x256xi32>
    %reshape3A = vector.shape_cast %select_n3A_35 : vector<2000x256xi32> to vector<2000x256x1xi32>
    %gather3A = vector.shape_cast %reshape3A : vector<2000x256x1xi32> to vector<2000x256xi32>
    %gather3A_36 = tpu.dynamic_gather %mul3A[%gather3A] in [1] : vector<2000x16xf32>, vector<2000x256xi32> -> vector<2000x256xf32>
    %jit3A_37 = arith.constant 16 : i32
    %eq3A = arith.constant 0 : i32
    %eq3A_38 = arith.cmpi eq, %jit3A_37, %eq3A : i32
    %jit3A_39 = arith.constant 1 : i32
    %select_n3A_40 = arith.select %eq3A_38, %jit3A_39, %jit3A_37 : i32
    %rem3A_41 = vector.broadcast %select_n3A_40 : i32 to vector<2000x256xi32>
    %rem3A_42 = arith.remsi %iota3A, %rem3A_41 : vector<2000x256xi32>
    %ne3A_43 = arith.constant 0 : i32
    %ne3A_44 = vector.broadcast %ne3A_43 : i32 to vector<2000x256xi32>
    %ne3A_45 = arith.cmpi ne, %rem3A_42, %ne3A_44 : vector<2000x256xi32>
    %lt3A_46 = arith.constant 0 : i32
    %lt3A_47 = vector.broadcast %lt3A_46 : i32 to vector<2000x256xi32>
    %lt3A_48 = arith.cmpi slt, %rem3A_42, %lt3A_47 : vector<2000x256xi32>
    %lt3A_49 = arith.constant 0 : i32
    %lt3A_50 = arith.cmpi slt, %select_n3A_40, %lt3A_49 : i32
    %ne3A_51 = vector.broadcast %lt3A_50 : i1 to vector<2000x256xi1>
    %ne3A_52 = vector.broadcast %ne3A_51 : vector<2000x256xi1> to vector<2000x256xi1>
    %ne3A_53 = arith.xori %lt3A_48, %ne3A_52 : vector<2000x256xi1>
    %and3A_54 = arith.andi %ne3A_53, %ne3A_45 : vector<2000x256xi1>
    %add3A_55 = vector.broadcast %select_n3A_40 : i32 to vector<2000x256xi32>
    %add3A_56 = arith.addi %rem3A_42, %add3A_55 : vector<2000x256xi32>
    %select_n3A_57 = arith.select %and3A_54, %add3A_56, %rem3A_42 : vector<2000x256xi1>, vector<2000x256xi32>
    %lt3A_58 = arith.constant 0 : i32
    %lt3A_59 = vector.broadcast %lt3A_58 : i32 to vector<2000x256xi32>
    %lt3A_60 = arith.cmpi slt, %select_n3A_57, %lt3A_59 : vector<2000x256xi32>
    %add3A_61 = arith.constant 16 : i32
    %add3A_62 = vector.broadcast %add3A_61 : i32 to vector<2000x256xi32>
    %add3A_63 = arith.addi %select_n3A_57, %add3A_62 : vector<2000x256xi32>
    %select_n3A_64 = arith.select %lt3A_60, %add3A_63, %select_n3A_57 : vector<2000x256xi1>, vector<2000x256xi32>
    %reshape3A_65 = vector.shape_cast %select_n3A_64 : vector<2000x256xi32> to vector<2000x256x1xi32>
    %gather3A_66 = vector.shape_cast %reshape3A_65 : vector<2000x256x1xi32> to vector<2000x256xi32>
    %gather3A_67 = tpu.dynamic_gather %mul3A[%gather3A_66] in [1] : vector<2000x16xf32>, vector<2000x256xi32> -> vector<2000x256xf32>
    %mul3A_68 = arith.mulf %gather3A_36, %gather3A_67 : vector<2000x256xf32>
    %slice3A = vector.extract_strided_slice %get3A_7 {offsets = [0, 0], sizes = [2000, 1], strides = [1, 1]} : vector<2000x3xf32> to vector<2000x1xf32>
    %mul3A_69 = vector.broadcast %slice3A : vector<2000x1xf32> to vector<2000x256xf32>
    %mul3A_70 = arith.mulf %mul3A_68, %mul3A_69 : vector<2000x256xf32>
    %swap3A = arith.constant 0 : index
    %swap3A_71 = arith.constant 0 : index
    %swap3A_72 = arith.constant 0 : index
    %swap3A_73 = vector.load %arg4[%swap3A, %swap3A_71, %swap3A_72] : memref<2000x3x256xf32, #tpu.memory_space<vmem>>, vector<2000x1x256xf32>
    %swap3A_74 = vector.shape_cast %swap3A_73 : vector<2000x1x256xf32> to vector<2000x256xf32>
    %swap3A_75 = vector.shape_cast %mul3A_70 : vector<2000x256xf32> to vector<2000x1x256xf32>
    tpu.vector_store %arg4[%swap3A, %swap3A_71, %swap3A_72], %swap3A_75 {strides = array<i32>} : memref<2000x3x256xf32, #tpu.memory_space<vmem>>, vector<2000x1x256xf32>,
    %slice3A_76 = vector.extract_strided_slice %get3A_7 {offsets = [0, 1], sizes = [2000, 1], strides = [1, 1]} : vector<2000x3xf32> to vector<2000x1xf32>
    %mul3A_77 = vector.broadcast %slice3A_76 : vector<2000x1xf32> to vector<2000x256xf32>
    %mul3A_78 = arith.mulf %mul3A_68, %mul3A_77 : vector<2000x256xf32>
    %swap3A_79 = arith.constant 0 : index
    %swap3A_80 = arith.constant 1 : index
    %swap3A_81 = arith.constant 0 : index
    %swap3A_82 = vector.load %arg4[%swap3A_79, %swap3A_80, %swap3A_81] : memref<2000x3x256xf32, #tpu.memory_space<vmem>>, vector<2000x1x256xf32>
    %swap3A_83 = vector.shape_cast %swap3A_82 : vector<2000x1x256xf32> to vector<2000x256xf32>
    %swap3A_84 = vector.shape_cast %mul3A_78 : vector<2000x256xf32> to vector<2000x1x256xf32>
    tpu.vector_store %arg4[%swap3A_79, %swap3A_80, %swap3A_81], %swap3A_84 {strides = array<i32>} : memref<2000x3x256xf32, #tpu.memory_space<vmem>>, vector<2000x1x256xf32>,
    %slice3A_85 = vector.extract_strided_slice %get3A_7 {offsets = [0, 2], sizes = [2000, 1], strides = [1, 1]} : vector<2000x3xf32> to vector<2000x1xf32>
    %mul3A_86 = vector.broadcast %slice3A_85 : vector<2000x1xf32> to vector<2000x256xf32>
    %mul3A_87 = arith.mulf %mul3A_68, %mul3A_86 : vector<2000x256xf32>
    %swap3A_88 = arith.constant 0 : index
    %swap3A_89 = arith.constant 2 : index
    %swap3A_90 = arith.constant 0 : index
    %swap3A_91 = vector.load %arg4[%swap3A_88, %swap3A_89, %swap3A_90] : memref<2000x3x256xf32, #tpu.memory_space<vmem>>, vector<2000x1x256xf32>
    %swap3A_92 = vector.shape_cast %swap3A_91 : vector<2000x1x256xf32> to vector<2000x256xf32>
    %swap3A_93 = vector.shape_cast %mul3A_87 : vector<2000x256xf32> to vector<2000x1x256xf32>
    tpu.vector_store %arg4[%swap3A_88, %swap3A_89, %swap3A_90], %swap3A_93 {strides = array<i32>} : memref<2000x3x256xf32, #tpu.memory_space<vmem>>, vector<2000x1x256xf32>,
    return
  }
  func.func @transform_0(%arg0: i32) -> (i32, i32) {
    %c0_i32 = arith.constant 0 : i32
    %c0_i32_0 = arith.constant 0 : i32
    return %arg0, %c0_i32 : i32, i32
  }
  func.func @transform_1(%arg0: i32) -> (i32, i32) {
    %c0_i32 = arith.constant 0 : i32
    %c0_i32_0 = arith.constant 0 : i32
    return %arg0, %c0_i32 : i32, i32
  }
  func.func @transform_2(%arg0: i32) -> (i32, i32) {
    %c0_i32 = arith.constant 0 : i32
    %c0_i32_0 = arith.constant 0 : i32
    return %arg0, %c0_i32 : i32, i32
  }
  func.func @transform_3(%arg0: i32) -> (i32, i32, i32) {
    %c0_i32 = arith.constant 0 : i32
    %c0_i32_0 = arith.constant 0 : i32
    %c0_i32_1 = arith.constant 0 : i32
    return %arg0, %c0_i32, %c0_i32_0 : i32, i32, i32
  }
}

</mosaic_0001>

<sc_bundles>
// kernel: kernel.4.cloned.1.call-start
scs
__scs_entry_jumppad:
0x0: {  	(pc) =	sbr.rel $0x88, $3  }
0x1: {  	(tag) =	ssettag $0x0;
	lr =	simm.s32 $0x1  }
0x2: {  	[smem:$0x3F9E] =	sst lr;
	_ =	strace $0xD0000000  }
0x3: {  	_ = 	snop  }
0x4: {  	_ = 	snop  }
0x5: {  	_ = 	snop  }
0x6: {  	_ = 	snop  }
0x7: {  	_ = 	snop  }
__scs_overlays_trampoline_lowered:
0x8: {  	[smem:$0x3FAD] =	sst s0  }
0x9: {  	[smem:$0x3FAE] =	sst s1  }
0xa: {  	[smem:$0x3FAF] =	sst s2  }
0xb: {  	[smem:$0x3FB0] =	sst s3  }
0xc: {  	[smem:$0x3FB1] =	sst s4  }
0xd: {  	[smem:$0x3FB2] =	sst s5  }
0xe: {  	[smem:$0x3FB3] =	sst s6  }
0xf: {  	[smem:$0x3FB4] =	sst s7  }
0x10: {  	[smem:$0x3FB5] =	sst s8  }
0x11: {  	[smem:$0x3FB6] =	sst s9;
	s0 =	simm.s32 @!p0 $0x0  }
0x12: {  	s1 =	sld [smem:$0x3F9C];
	s0 =	simm.s32 @p0 $0x1  }
0x13: {  	[smem:$0x3FB7] =	sst s0;
	s0 =	simm.s32 @!p1 $0x0  }
0x14: {  	s2 =	sld [smem:$0x3F9B];
	s0 =	simm.s32 @p1 $0x1  }
0x15: {  	[smem:$0x3FB8] =	sst s0;
	s0 =	simm.s32 @!p2 $0x0  }
0x16: {  	s3 =	sld [smem:$0x3FDB];
	s0 =	simm.s32 @p2 $0x1  }
0x17: {  	s4 =	simm.s32 $0x1BF5;
	[smem:$0x3FBA] =	sst s0  }
0x18: {  	s0 =	sld [smem:$0x3F9D];
	_ =	swait.ge [sflag:s4], $0x0  }
0x19: {  	s7 =	sld [smem:$0x3F9E]  }
0x1a: {  	s8 =	sadd.s32 $0xFFFFE003, lr  }
0x1b: {  	s9 =	sadd.s32 $0xFFFFFEF7, lr;
	s5 =	simm.s32 $0xFFFFFFFF;
	p2 =	slt.u32 s8, $0xFFFFF086  }
0x1c: {  	p1 =	slt.u32 s9, $0xF7A;
	s5 =	simm.s32 @!p2 $0x0  }
0x1d: {  	s5 =	simm.s32 @p1 $0x1;
	p0 =	seq.s32 s7, s2  }
0x1e: {  	s7 =	smul.u32 @!p0 $0xF7A, s2;
	p2 =	seq.s32 @!p0 s5, $0x0  }
0x1f: {  	s9 =	smul.u32 $0xF7A, s1;
	s8 =	simm.s32 @!p0 $0x1BF5;
	p2 =	por !p2, p0  }
0x20: {  	[sflag:s8] =	ssyncset.s32 @!p0 $0xFFFFF086;
	s6 =	sadd.s32 @!p0 s3, s7;
	s7 =	simm.s32 @!p0 $0x108  }
0x21: {  	s3 =	sadd.s32 s3, s9;
	s6 =	sadd.s32 @!p0 $0x88, s6;
	s7 =	simm.s32 @p2 $0x1082  }
0x22: {  	[simem:s7], [sflag:s8] =	dma.local @!p0 [hbm:s6], $0xF7A  }
0x23: {  	s9 =	sor.u32 $0xD0000000, s2;
	s6 =	simm.s32 $0x108;
	_ =	swait.ge @!p0 [sflag:s8], $0x0  }
0x24: {  	s3 =	sadd.s32 $0x88, s3;
	s6 =	simm.s32 @!p1 $0x1082;
	[sflag:s4] =	ssyncset.s32 $0xFFFFF086  }
0x25: {  	[simem:s6], [sflag:s4] =	dma.local [hbm:s3], $0xF7A  }
0x26: {  	[smem:$0x3F9E] =	sst s1;
	(tag) =	ssettag s2;
	_ =	strace s9  }
0x27: {  	s1 =	sld [smem:$0x3FAE]  }
0x28: {  	s2 =	sld [smem:$0x3FAF]  }
0x29: {  	s4 =	sld [smem:$0x3FB1]  }
0x2a: {  	p0 =	seq.s32 s5, $0x0;
	s5 =	sld [smem:$0x3FB2]  }
0x2b: {  	s6 =	sld [smem:$0x3FB3]  }
0x2c: {  	s7 =	sld [smem:$0x3FB4]  }
0x2d: {  	s3 =	simm.s32 $0x108;
	s8 =	sld [smem:$0x3FB5]  }
0x2e: {  	s3 =	simm.s32 @!p0 $0x1082;
	s9 =	sld [smem:$0x3FB6]  }
0x2f: {  	lr =	sadd.s32 s0, s3;
	s0 =	sld [smem:$0x3FAD]  }
0x30: {  	s3 =	sld [smem:$0x3FB0]  }
0x31: {  	[smem:$0x3FB9] =	sst s10  }
0x32: {  	s10 =	sld [smem:$0x3FB7];
	_ =	sdelay $0x3  }
0x33: {  	p0 =	seq.s32 s10, $0x1;
	s10 =	sld [smem:$0x3FB9];
	_ =	sdelay $0x3  }
0x34: {  	[smem:$0x3FB9] =	sst s10  }
0x35: {  	s10 =	sld [smem:$0x3FB8];
	_ =	sdelay $0x3  }
0x36: {  	p1 =	seq.s32 s10, $0x1;
	s10 =	sld [smem:$0x3FB9];
	_ =	sdelay $0x3  }
0x37: {  	[smem:$0x3FB9] =	sst s10  }
0x38: {  	s10 =	sld [smem:$0x3FBA]  }
0x39: {  	_ = 	snop;
	(pc) =	sbr.ind lr, $3  }
0x3a: {  	_ = 	snop  }
0x3b: {  	_ = 	snop  }
0x3c: {  	p2 =	seq.s32 s10, $0x1;
	s10 =	sld [smem:$0x3FB9]  }
0x3d: {  	_ =	shalt  }
0x3e: {  	_ =	shalt  }
0x3f: {  	_ =	shalt  }
0x40: {  	_ =	shalt  }
0x41: {  	_ =	shalt  }
0x42: {  	_ =	shalt  }
0x43: {  	_ =	shalt  }
0x44: {  	_ =	shalt  }
0x45: {  	_ =	shalt  }
0x46: {  	_ =	shalt  }
0x47: {  	_ =	shalt  }
0x48: {  	_ =	shalt  }
0x49: {  	_ =	shalt  }
0x4a: {  	_ =	shalt  }
0x4b: {  	_ =	shalt  }
0x4c: {  	_ =	shalt  }
0x4d: {  	_ =	shalt  }
0x4e: {  	_ =	shalt  }
0x4f: {  	_ =	shalt  }
0x50: {  	_ =	shalt  }
0x51: {  	_ =	shalt  }
0x52: {  	_ =	shalt  }
0x53: {  	_ =	shalt  }
0x54: {  	_ =	shalt  }
0x55: {  	_ =	shalt  }
0x56: {  	_ =	shalt  }
0x57: {  	_ =	shalt  }
0x58: {  	_ =	shalt  }
0x59: {  	_ =	shalt  }
0x5a: {  	_ =	shalt  }
0x5b: {  	_ =	shalt  }
0x5c: {  	_ =	shalt  }
0x5d: {  	_ =	shalt  }
0x5e: {  	_ =	shalt  }
0x5f: {  	_ =	shalt  }
0x60: {  	_ =	shalt  }
0x61: {  	_ =	shalt  }
0x62: {  	_ =	shalt  }
0x63: {  	_ =	shalt  }
0x64: {  	_ =	shalt  }
0x65: {  	_ =	shalt  }
0x66: {  	_ =	shalt  }
0x67: {  	_ =	shalt  }
0x68: {  	_ =	shalt  }
0x69: {  	_ =	shalt  }
0x6a: {  	_ =	shalt  }
0x6b: {  	_ =	shalt  }
0x6c: {  	_ =	shalt  }
0x6d: {  	_ =	shalt  }
0x6e: {  	_ =	shalt  }
0x6f: {  	_ =	shalt  }
0x70: {  	_ =	shalt  }
0x71: {  	_ =	shalt  }
0x72: {  	_ =	shalt  }
0x73: {  	_ =	shalt  }
0x74: {  	_ =	shalt  }
0x75: {  	_ =	shalt  }
0x76: {  	_ =	shalt  }
0x77: {  	_ =	shalt  }
0x78: {  	_ =	shalt  }
0x79: {  	_ =	shalt  }
0x7a: {  	_ =	shalt  }
0x7b: {  	_ =	shalt  }
0x7c: {  	_ =	shalt  }
0x7d: {  	_ =	shalt  }
0x7e: {  	_ =	shalt  }
0x7f: {  	_ =	shalt  }
0x80: {  	_ =	shalt  }
0x81: {  	_ =	shalt  }
0x82: {  	_ =	shalt  }
0x83: {  	_ =	shalt  }
0x84: {  	_ =	shalt  }
0x85: {  	_ =	shalt  }
0x86: {  	_ =	shalt  }
0x87: {  	_ =	shalt  }
.Lfunc_end0:
.L_simem_size_0:
called_computation_lowered:
.L_overlay_start_0:
0x88: {  	s2 =	sld [smem:$0x3FD9]  }
0x89: {  	s3 =	sld [smem:$0x3FFE];
	_ =	sdelay $0x1  }
0x8a: {  	s1 =	srdreg.scid  }
0x8b: {  	s0 =	sand.u32 $0x1, s1  }
0x8c: {  	s14 =	sshll.u32 s0, $0xA;
	s2 =	sadd.s32 s3, s2  }
0x8d: {  	s2 =	sadd.s32 s2, s14  }
0x8e: {  	[smem:$0x3FC5] =	sst s2  }
0x8f: {  	_ = 	snop  }
0x90: {  	s2 =	sld [smem:$0x3FD0];
	_ =	sdelay $0x2  }
0x91: {  	s15 =	simm.s32 $0xA;
	s4 =	simm.s32 $0x10  }
0x92: {  	[smem:s4], [sflag:s15] =	dma.local [hbm:s2], $0x1  }
0x93: {  	_ =	swait.eq [sflag:s15], $0x1  }
0x94: {  	[sflag:s15] =	ssyncset.done $0x0  }
0x95: {  	[sflag:s15] =	ssyncadd.s32 $0xFFFFFFFF  }
0x96: {  	s16 =	sld [smem:$0x10];
	(tm) =	ssettm $0x1  }
0x97: {  	s17 =	sld [smem:$0x3FFB];
	_ =	sdelay $0x3  }
0x98: {  	_ =	strace s17  }
0x99: {  	s3 =	sld [smem:$0x3FFC];
	_ =	sdelay $0x3  }
0x9a: {  	_ =	strace s3  }
0x9b: {  	s3 =	sld [smem:$0x3FFD];
	_ =	sdelay $0x3  }
0x9c: {  	_ =	strace s3  }
0x9d: {  	_ =	strace $0x8FFFFFFF  }
0x9e: {  	s18 =	sld [smem:$0x3FDB];
	_ =	sdelay $0x1  }
0x9f: {  	s19 =	simm.s32 $_scs_section_size  }
0xa0: {  	s5 =	simm.s32 $_size__tile_overlayer_lowered;
	s6 =	simm.s32 $_tile_overlayer_lowered  }
0xa1: {  	s22 =	simm.s32 $0x1BFF;
	s21 =	sshll.u32 s6, $0x1;
	s3 =	sadd.s32 s19, s18  }
0xa2: {  	s7 =	simm.s32 $0x0;
	s20 =	sshll.u32 s5, $0x1;
	s5 =	sadd.s32 s21, s3  }
0xa3: {  	[timem:s7], [sflag:s22] =	dma.local [hbm:s5], s20  }
0xa4: {  	_ =	swait.ge [sflag:s22], s20  }
0xa5: {  	s4 =	ssub.s32 $0x0, s20;
	[sflag:s22] =	ssyncset.done $0x0  }
0xa6: {  	[sflag:s22] =	ssyncadd.s32 s4;
	_ =	sdelay $0x1  }
0xa7: {  	s23 =	simm.s32 $0x1B8B  }
0xa8: {  	_ =	swait.ge [sflag:s23], $0x1  }
0xa9: {  	[sflag:s23] =	ssyncset.done $0x0  }
0xaa: {  	s25 =	simm.s32 $0x1B8E;
	s24 =	sld [smem:$0x3FFE];
	[sflag:s23] =	ssyncadd.s32 $0xFFFFFFFF  }
0xab: {  	s26 =	simm.s32 $execute0_lowered;
	[smem:$0x3FD2] =	sst s25  }
0xac: {  	s5 =	sshll.u32 s26, $0x1;
	_ =	strace $0x80000046;
	[dreg:$0x1] =	wrdreg $0xFFFFFFFF  }
0xad: {  	s28 =	simm.s32 $_size_execute0_lowered;
	s3 =	sadd.s32 s3, s5;
	[dreg:$0x0] =	wrdreg $0x0  }
0xae: {  	s5 =	sshll.u32 s28, $0x1;
	[dreg:$0x2] =	wrdreg s3  }
0xaf: {  	[dreg:$0x3] =	wrdreg s5  }
0xb0: {  	[dreg:$0x4] =	wrdreg $0xC0  }
0xb1: {  	_ =	task [dreg:s7], $0x5FFFF  }
0xb2: {  	[dreg:$0x1] =	wrdreg $0xFFFFFFFF  }
0xb3: {  	[dreg:$0x0] =	wrdreg $0x60  }
0xb4: {  	[dreg:$0x2] =	wrdreg s16  }
0xb5: {  	[dreg:$0x3] =	wrdreg s24  }
0xb6: {  	[dreg:$0x4] =	wrdreg $0x9  }
0xb7: {  	_ =	task.clear_ibuf [dreg:s7], $0x5FFFF;
	_ =	strace $0x90000046  }
0xb8: {  	s29 =	simm.s32 $0x9;
	_ =	strace $0x80000053  }
0xb9: {  	_ =	swait.ge [sflag:s29], $0x1  }
0xba: {  	[sflag:s29] =	ssyncadd.s32 $0xFFFFFFFF  }
0xbb: {  	_ =	strace $0x90000053  }
0xbc: {  	_ =	sfence  }
0xbd: {  	s30 =	sld [smem:$0x0];
	_ =	sdelay $0x2  }
0xbe: {  	s31 =	sshll.u32 s1, $0xD;
	s1 =	sshrl.u32 s1, $0x2  }
0xbf: {  	s3 =	sand.u32 $0x4000, s31;
	s1 =	sadd.s32 s1, s30  }
0xc0: {  	s0 =	sor.u32 s3, s0;
	s1 =	sshll.u32 s1, $0x11  }
0xc1: {  	s0 =	sor.u32 s1, s0  }
0xc2: {  	s0 =	sadd.s32 $0x8F2B, s0  }
0xc3: {  	[sflag:s0] =	ssyncadd.remote.s32 $0x1  }
0xc4: {  	_ =	sfence.sel $0xFFFF  }
0xc5: {  	[dreg:$0x0] =	wrdreg $0xFFFFFFFF;
	(pc) =	sbr.abs _section_cstart, $3  }
0xc6: {  	[dreg:$0x1] =	wrdreg $0xFFFFFFFF  }
0xc7: {  	_ =	task.clear_ibuf [dreg:s7], $0x2FFFF;
	_ =	strace $0x9FFFFFFF  }
0xc8: {  	(tm) =	ssettm $0x7FFFFFFF  }
0xc9: {  	_ =	shalt  }
tec
execute0_lowered:
.L_overlay_start_1:
0x0: {  	(tag) =	ssettag $0x1  }
0x1: {  	s0 =	srdreg.scid;
	s5 =	rddreg [dreg:$0x0]  }
0x2: {  	s1 =	rddreg [dreg:$0x1];
	s0 =	sand.u32 $0x1, s0  }
0x3: {  	s3 =	stileid.u32;
	s4 =	simm.s32 $0x0;
	s2 =	sshll.u32 s0, $0x4  }
0x4: {  	[smem:$0x7FF] =	sst s4;
	s28 =	sadd.s32 $0x272C00, s1;
	s2 =	sor.u32 s3, s2  }
0x5: {  	s6 =	sadd.s32 $0x1C00, s1;
	s1 =	sadd.s32 $0x4E3C00, s1;
	s3 =	smul.u32 $0x4E, s2  }
0x6: {  	_ =	strace $0x80000047;
	s0 =	ssub.s32 $0x2, s0;
	s4 =	smul.u32 $0x4F, s2  }
0x7: {  	[dreg:$0x6] =	wrdreg s1;
	p0 =	slt.u32 s2, $0x4;
	s2 =	sadd.s32 $0x4, s3  }
0x8: {  	[dreg:$0x3] =	wrdreg s6;
	s29 =	sshrl.u32 s0, $0x1;
	s2 =	smov.u32 @p0 s4  }
0x9: {  	s0 =	ssub.s32 s0, s29;
	[dreg:$0x4] =	wrdreg s2;
	s2 =	sshll.u32 s2, $0xA  }
0xa: {  	[dreg:$0x5] =	wrdreg s28;
	s0 =	smax.u32 s0, $0x1;
	s30 =	sand.u32 $0x1FFFFC00, s2  }
0xb: {  	[dreg:$0xa] =	wrdreg s0;
	s2 =	sadd.s32 s5, s30  }
0xc: {  	s8 =	simm.s32 $0x4F;
	s31 =	sadd.s32 s6, s30;
	[dreg:$0x7] =	wrdreg s2  }
0xd: {  	s8 =	simm.s32 @!p0 $0x4E;
	s1 =	sadd.s32 s28, s30;
	[dreg:$0x8] =	wrdreg s31  }
0xe: {  	s12 =	sadd.s32 $0xFFFFFFFF, s8;
	[dreg:$0x9] =	wrdreg s1;
	s1 =	simm.s32 $0x0  }
.LBB2_1:
0xf: {  	[dreg:$0xb] =	wrdreg s1  }
0x10: {  	s0 =	simm.s32 $0x0;
	s2 =	simm.s32 $0x4000;
	s31 =	simm.s32 $0x8000  }
0x11: {  	s28 =	simm.s32 $0x0;
	s17 =	simm.s32 $0x0;
	_ =	strace $0x80000048  }
0x12: {  	s18 =	simm.s32 $0x0;
	s19 =	simm.s32 $0x0;
	s26 =	rddreg [dreg:$0x7]  }
0x13: {  	[tilespmem:s0], [sflag:$0x1] =	stream.linear.gather [hbm4b:s26+s0], $0x2000, $0x200038;
	[tilespmem:$0x18000] =	vst v63  }
0x14: {  	s20 =	simm.s32 $0x1;
	s21 =	simm.s32 $0x0;
	s29 =	rddreg [dreg:$0x8]  }
0x15: {  	[tilespmem:s2], [sflag:$0x3] =	stream.linear.gather [hbm4b:s29+s0], $0x2000, $0x200038;
	[tilespmem:$0x18000] =	vst v63  }
0x16: {  	s22 =	simm.s32 $0x1;
	s23 =	simm.s32 $0x0;
	s30 =	rddreg [dreg:$0x9]  }
0x17: {  	[tilespmem:s31], [sflag:$0x5] =	stream.linear.gather [hbm4b:s30+s0], $0x2000, $0x200038;
	[tilespmem:$0x18000] =	vst v63  }
0x18: {  	s24 =	simm.s32 $0x1;
	s25 =	simm.s32 $0x0;
	_ =	strace $0x90000048  }
.LBB2_2:
0x19: {  	s26 =	sadd.s32 $0x1, s28  }
0x1a: {  	p0 =	seq.s32 s26, s8  }
0x1b: {  	s26 =	simm.s32 @p0 $0x0;
	p0 =	sge.u32 s25, s12  }
0x1c: {  	p2 =	seq.s32 @!p0 s28, s26  }
0x1d: {  	s6 =	rddreg [dreg:$0x4];
	p1 =	por p2, p0  }
0x1e: {  	s0 =	sadd.s32 @!p1 s6, s26  }
0x1f: {  	_ =	strace @!p1 $0x80000049;
	s1 =	sand.u32 @!p1 $0x1, s24;
	s0 =	sshll.u32 @!p1 s0, $0xA  }
0x20: {  	s10 =	simm.s32 @!p1 $0x0;
	s3 =	rddreg [dreg:$0x0];
	s0 =	sand.u32 @!p1 $0x1FFFFC00, s0  }
0x21: {  	s4 =	sshll.u32 @!p1 s1, $0xD;
	s1 =	sadd.s32 @!p1 $0x1, s1;
	s9 =	sadd.s32 @!p1 s3, s0  }
0x22: {  	[tilespmem:s4], [sflag:s1] =	stream.linear.gather @!p1 [hbm4b:s9+s10], $0x2000, $0x200038;
	[tilespmem:$0x18000] =	vst v63  }
0x23: {  	_ =	strace @!p1 $0x90000049  }
0x24: {  	s1 =	sand.u32 @!p1 $0x1, s22;
	_ =	strace @!p1 $0x8000004A  }
0x25: {  	s4 =	sshll.u32 @!p1 s1, $0xD;
	s5 =	rddreg [dreg:$0x3]  }
0x26: {  	s1 =	sadd.s32 @!p1 $0x3, s1;
	s4 =	sor.u32 @!p1 $0x4000, s4;
	s9 =	sadd.s32 @!p1 s5, s0  }
0x27: {  	[tilespmem:s4], [sflag:s1] =	stream.linear.gather @!p1 [hbm4b:s9+s10], $0x2000, $0x200038;
	[tilespmem:$0x18000] =	vst v63  }
0x28: {  	_ =	strace @!p1 $0x9000004A  }
0x29: {  	s1 =	sand.u32 @!p1 $0x1, s20;
	_ =	strace @!p1 $0x8000004B  }
0x2a: {  	s4 =	sshll.u32 @!p1 s1, $0xD;
	s5 =	rddreg [dreg:$0x5]  }
0x2b: {  	s1 =	sadd.s32 @!p1 $0x5, s1;
	s4 =	sor.u32 @!p1 $0x8000, s4;
	s0 =	sadd.s32 @!p1 s5, s0  }
0x2c: {  	[tilespmem:s4], [sflag:s1] =	stream.linear.gather @!p1 [hbm4b:s0+s10], $0x2000, $0x200038;
	[tilespmem:$0x18000] =	vst v63  }
0x2d: {  	s14 =	sand.u32 $0x1, s23;
	_ =	strace @!p1 $0x9000004B  }
0x2e: {  	s0 =	sadd.s32 $0x1, s14;
	_ =	strace $0x8000004C  }
0x2f: {  	_ =	swait.ge [sflag:s0], $0x2000  }
0x30: {  	[sflag:s0] =	ssyncset.done $0x0  }
0x31: {  	[sflag:s0] =	ssyncadd.s32 $0xFFFFE000  }
0x32: {  	s15 =	sand.u32 $0x1, s21;
	_ =	strace $0x9000004C  }
0x33: {  	s0 =	sadd.s32 $0x3, s15;
	_ =	strace $0x8000004D  }
0x34: {  	_ =	swait.ge [sflag:s0], $0x2000  }
0x35: {  	[sflag:s0] =	ssyncset.done $0x0  }
0x36: {  	[sflag:s0] =	ssyncadd.s32 $0xFFFFE000  }
0x37: {  	s16 =	sand.u32 $0x1, s19;
	_ =	strace $0x9000004D  }
0x38: {  	s0 =	sadd.s32 $0x5, s16;
	_ =	strace $0x8000004E  }
0x39: {  	_ =	swait.ge [sflag:s0], $0x2000  }
0x3a: {  	[sflag:s0] =	ssyncset.done $0x0  }
0x3b: {  	s1 =	sshll.u32 s19, $0xD;
	[sflag:s0] =	ssyncadd.s32 $0xFFFFE000  }
0x3c: {  	s4 =	sshll.u32 s21, $0xD;
	s0 =	sand.u32 $0x2000, s1;
	_ =	strace $0x9000004E  }
0x3d: {  	s1 =	sand.u32 $0x2000, s4;
	s5 =	sor.u32 $0x8000, s0;
	_ =	strace $0x8000004F  }
0x3e: {  	s7 =	sor.u32 $0x4000, s1;
	v0 =	vld [tilespmem:s5+$0x0]  }
0x3f: {  	s29 =	sand.u32 $0x1, s18;
	v1 =	vld [tilespmem:s7+$0x0]  }
0x40: {  	s11 =	simm.s32 $0x0;
	s10 =	smul.u32 $0x18000, s29  }
0x41: {  	s1 =	smul.u32 $0x3000, s11  }
0x42: {  	s0 =	sshrl.u32 s10, $0x2  }
0x43: {  	s13 =	simm.s32 $0x0;
	s30 =	sadd.s32 $0xC000, s0;
	s1 =	sshra.s32 s1, $0x2  }
0x44: {  	s0 =	sand.u32 $0x380, s13;
	s1 =	sadd.s32 s1, s30;
	v0 =	vmul.f32 v0, v1  }
0x45: {  	s14 =	sshll.u32 s23, $0xD;
	s1 =	sadd.s32 s0, s1  }
0x46: {  	s10 =	sand.u32 $0x2000, s14;
	[tilespmem:s1+$0x0] =	vst v0  }
0x47: {  	v1 =	vld.msk [tilespmem:s10+$0x0], $0x7;
	_ =	sdelay $0x4  }
0x48: {  	(v2sf) =	vpush v1, $0x0  }
0x49: {  	(v2sf) =	vpush v1, $0x1;
	_ =	sdelay $0x1  }
0x4a: {  	(v2sf) =	vpush v1, $0x2;
	_ =	sdelay $0xb  }
0x4b: {  	s15 =	spop (v2sf)  }
0x4c: {  	s0 =	smul.f32 s15, s15;
	s11 =	spop (v2sf)  }
0x4d: {  	s11 =	smul.f32 s11, s11  }
0x4e: {  	s13 =	spop (v2sf)  }
0x4f: {  	s16 =	smul.f32 s13, s13;
	s0 =	sadd.f32 s11, s0  }
0x50: {  	_ = 	snop  }
0x51: {  	s0 =	sadd.f32 s0, s16;
	_ =	sdelay $0x1  }
0x52: {  	s31 =	simm.s32 $0x0;
	p2 =	por !p2, p0;
	v1 =	vmul.f32 s0, v0  }
0x53: {  	s31 =	simm.s32 @p2 $0x1  }
0x54: {  	s2 =	smov.u32 s24;
	s31 =	simm.s32 @p0 $0x0;
	v3 =	vbroadcast v1, $0x1;
	v4 =	vbroadcast v1, $0x6  }
0x55: {  	s3 =	smov.u32 s22;
	s9 =	simm.s32 $0x80;
	s14 =	sadd.s32 $0x80, s10;
	v2 =	vbroadcast v1, $0x0;
	v5 =	vbroadcast v1, $0x8  }
0x56: {  	s4 =	sadd.s32 $0x80, s14;
	s10 =	sadd.s32 $0x80, s5;
	s11 =	sadd.s32 @!p1 $0x1, s24;
	v3 =	vmul.f32 v3, v0;
	v4 =	vmul.f32 v4, v0  }
0x57: {  	s15 =	simm.s32 $0x1;
	s13 =	simm.s32 $0x80;
	s24 =	smov.u32 @p2 s11;
	v6 =	vmul.f32 v5, v0;
	v5 =	vbroadcast v1, $0x9  }
0x58: {  	s11 =	sadd.s32 $0x80, s7;
	s24 =	smov.u32 @p0 s2;
	s0 =	sadd.s32 @!p1 $0x1, s22;
	v7 =	vbroadcast v1, $0xA;
	v8 =	vbroadcast v1, $0xC;
	[tilespmem:s1+$0x20] =	vst v3  }
0x59: {  	s2 =	simm.s32 $0x2;
	s16 =	smov.u32 s10;
	s22 =	smov.u32 @p2 s0;
	[tilespmem:s1+$0x70] =	vst v4;
	v5 =	vmul.f32 v5, v0;
	v3 =	vbroadcast v1, $0xD  }
0x5a: {  	s0 =	sadd.s32 s6, s28;
	s22 =	smov.u32 @p0 s3;
	s3 =	smov.u32 s11;
	[tilespmem:s1+$0x410] =	vst v6;
	v6 =	vmul.f32 v7, v0;
	v4 =	vmul.f32 v8, v0  }
.LBB2_3:
0x5b: {  	s13 =	sadd.s32 $0x80, s13;
	s11 =	sadd.s32 $0x80, s11;
	s10 =	sadd.s32 $0x80, s10;
	v2 =	vmul.f32 v2, v0;
	v7 =	vbroadcast v1, $0x2;
	[tilespmem:s1+$0x420] =	vst v5  }
0x5c: {  	p0 =	sne.s32 s2, $0x3F;
	v5 =	vbroadcast v1, $0x3;
	v3 =	vmul.f32 v3, v0;
	s6 =	smov.u32 s2;
	s2 =	sadd.s32 $0x1, s2;
	[tilespmem:s1+$0x430] =	vst v6  }
0x5d: {  	v8 =	vbroadcast v1, $0x5;
	v6 =	vbroadcast v1, $0x4;
	[tilespmem:s1+$0x450] =	vst v4  }
0x5e: {  	v4 =	vmul.f32 v5, v0;
	v5 =	vbroadcast v1, $0x7;
	[tilespmem:s1+$0x460] =	vst v3  }
0x5f: {  	v3 =	vbroadcast v1, $0xB;
	[tilespmem:s1+$0x10] =	vst v2;
	v2 =	vmul.f32 v7, v0  }
0x60: {  	v5 =	vmul.f32 v5, v0;
	[tilespmem:s1+$0x40] =	vst v4;
	v4 =	vmul.f32 v8, v0  }
0x61: {  	[tilespmem:s1+$0x30] =	vst v2;
	v2 =	vmul.f32 v3, v0;
	v3 =	vbroadcast v1, $0xE  }
0x62: {  	v6 =	vmul.f32 v6, v0;
	v1 =	vbroadcast v1, $0xF;
	[tilespmem:s1+$0x400] =	vst v5  }
0x63: {  	[tilespmem:s1+$0x440] =	vst v2;
	v2 =	vmul.f32 v3, v0  }
0x64: {  	v0 =	vmul.f32 v1, v0;
	[tilespmem:s1+$0x50] =	vst v6  }
0x65: {  	[tilespmem:s1+$0x470] =	vst v2  }
0x66: {  	[tilespmem:s1+$0x800] =	vst v0  }
0x67: {  	[tilespmem:s1+$0x60] =	vst v4  }
0x68: {  	v0 =	vld [tilespmem:s16+$0x0];
	s16 =	smov.u32 s10  }
0x69: {  	v1 =	vld [tilespmem:s3+$0x0];
	s3 =	smov.u32 s11  }
0x6a: {  	s1 =	sshrl.u32 s15, $0x3;
	s15 =	smov.u32 s6  }
0x6b: {  	s1 =	smul.u32 $0x3000, s1;
	_ =	sdelay $0x1  }
0x6c: {  	s1 =	sshra.s32 s1, $0x2  }
0x6d: {  	s6 =	sand.u32 $0x380, s9;
	s9 =	smov.u32 s13;
	s1 =	sadd.s32 s1, s30;
	v0 =	vmul.f32 v0, v1  }
0x6e: {  	s1 =	sadd.s32 s6, s1  }
0x6f: {  	[tilespmem:s1+$0x0] =	vst v0  }
0x70: {  	v1 =	vld.msk [tilespmem:s14+$0x0], $0x7;
	s14 =	smov.u32 s4;
	_ =	sdelay $0x4  }
0x71: {  	(v2sf) =	vpush v1, $0x0  }
0x72: {  	(v2sf) =	vpush v1, $0x1  }
0x73: {  	(v2sf) =	vpush v1, $0x2;
	_ =	sdelay $0xc  }
0x74: {  	s6 =	spop (v2sf)  }
0x75: {  	s6 =	smul.f32 s6, s6;
	s7 =	spop (v2sf)  }
0x76: {  	s7 =	smul.f32 s7, s7;
	s5 =	spop (v2sf)  }
0x77: {  	_ = 	snop  }
0x78: {  	s5 =	smul.f32 s5, s5;
	s6 =	sadd.f32 s7, s6  }
0x79: {  	_ = 	snop  }
0x7a: {  	s5 =	sadd.f32 s6, s5;
	_ =	sdelay $0x1  }
0x7b: {  	v1 =	vmul.f32 s5, v0;
	_ =	sdelay $0x1  }
0x7c: {  	v3 =	vbroadcast v1, $0x1;
	v4 =	vbroadcast v1, $0x6  }
0x7d: {  	v2 =	vbroadcast v1, $0x0;
	v5 =	vbroadcast v1, $0x8  }
.Ltmp0:
0x7e: {  	v3 =	vmul.f32 v3, v0;
	v4 =	vmul.f32 v4, v0;
	(pc) =	sbr.rel @p0 .LBB2_3-.Ltmp0, $4  }
0x7f: {  	v6 =	vmul.f32 v5, v0;
	v5 =	vbroadcast v1, $0x9  }
0x80: {  	v7 =	vbroadcast v1, $0xA;
	v8 =	vbroadcast v1, $0xC;
	[tilespmem:s1+$0x20] =	vst v3  }
0x81: {  	v5 =	vmul.f32 v5, v0;
	v3 =	vbroadcast v1, $0xD;
	[tilespmem:s1+$0x70] =	vst v4  }
0x82: {  	s4 =	sadd.s32 $0x80, s4;
	v4 =	vmul.f32 v8, v0;
	[tilespmem:s1+$0x410] =	vst v6;
	v6 =	vmul.f32 v7, v0  }
0x83: {  	[tilespmem:s1+$0x420] =	vst v5  }
0x84: {  	v24 =	vbroadcast v1, $0x3;
	v3 =	vmul.f32 v3, v0;
	[tilespmem:s1+$0x430] =	vst v6  }
0x85: {  	v2 =	vmul.f32 v2, v0;
	v25 =	vbroadcast v1, $0x2;
	[tilespmem:s1+$0x450] =	vst v4  }
0x86: {  	v27 =	vbroadcast v1, $0x7;
	v26 =	vmul.f32 v24, v0;
	[tilespmem:s1+$0x460] =	vst v3  }
0x87: {  	v29 =	vbroadcast v1, $0xB;
	[tilespmem:s1+$0x10] =	vst v2;
	v28 =	vmul.f32 v25, v0  }
0x88: {  	v30 =	vbroadcast v1, $0x4;
	v31 =	vmul.f32 v27, v0;
	[tilespmem:s1+$0x40] =	vst v26  }
0x89: {  	v33 =	vbroadcast v1, $0xE;
	v32 =	vmul.f32 v29, v0;
	[tilespmem:s1+$0x30] =	vst v28  }
0x8a: {  	v35 =	vbroadcast v1, $0xF;
	v34 =	vmul.f32 v30, v0;
	[tilespmem:s1+$0x400] =	vst v31  }
0x8b: {  	v36 =	vbroadcast v1, $0x5;
	v37 =	vmul.f32 v33, v0;
	[tilespmem:s1+$0x440] =	vst v32  }
0x8c: {  	v38 =	vmul.f32 v35, v0;
	[tilespmem:s1+$0x50] =	vst v34  }
0x8d: {  	v39 =	vmul.f32 v36, v0;
	[tilespmem:s1+$0x470] =	vst v37  }
0x8e: {  	[tilespmem:s1+$0x800] =	vst v38  }
0x8f: {  	[tilespmem:s1+$0x60] =	vst v39  }
0x90: {  	v0 =	vld [tilespmem:s16+$0x0]  }
0x91: {  	v40 =	vld [tilespmem:s3+$0x0]  }
0x92: {  	s13 =	sshrl.u32 s15, $0x3  }
0x93: {  	s1 =	smul.u32 $0x3000, s13;
	_ =	sdelay $0x1  }
0x94: {  	s1 =	sshra.s32 s1, $0x2  }
0x95: {  	s2 =	sand.u32 $0x380, s9;
	s1 =	sadd.s32 s1, s30;
	v0 =	vmul.f32 v0, v40  }
0x96: {  	s1 =	sadd.s32 s2, s1  }
0x97: {  	[tilespmem:s1+$0x0] =	vst v0  }
0x98: {  	v41 =	vld.msk [tilespmem:s14+$0x0], $0x7;
	_ =	sdelay $0x4  }
0x99: {  	(v2sf) =	vpush v41, $0x0  }
0x9a: {  	(v2sf) =	vpush v41, $0x1;
	_ =	sdelay $0x1  }
0x9b: {  	(v2sf) =	vpush v41, $0x2;
	_ =	sdelay $0xb  }
0x9c: {  	s14 =	spop (v2sf)  }
0x9d: {  	s2 =	smul.f32 s14, s14;
	s15 =	spop (v2sf)  }
0x9e: {  	s3 =	smul.f32 s15, s15  }
0x9f: {  	s4 =	spop (v2sf)  }
0xa0: {  	s16 =	smul.f32 s4, s4;
	s2 =	sadd.f32 s3, s2  }
0xa1: {  	_ = 	snop  }
0xa2: {  	s2 =	sadd.f32 s2, s16;
	_ =	sdelay $0x1  }
0xa3: {  	v42 =	vmul.f32 s2, v0;
	_ =	sdelay $0x1  }
0xa4: {  	v43 =	vbroadcast v42, $0x1  }
0xa5: {  	v44 =	vbroadcast v42, $0x6  }
0xa6: {  	v45 =	vbroadcast v42, $0x8;
	v2 =	vmul.f32 v43, v0  }
0xa7: {  	v46 =	vbroadcast v42, $0x9;
	v3 =	vmul.f32 v44, v0  }
0xa8: {  	v48 =	vbroadcast v42, $0xC;
	v4 =	vmul.f32 v45, v0;
	[tilespmem:s1+$0x20] =	vst v2  }
0xa9: {  	v50 =	vbroadcast v42, $0xD;
	v49 =	vmul.f32 v46, v0;
	[tilespmem:s1+$0x70] =	vst v3  }
0xaa: {  	v54 =	vbroadcast v42, $0x2;
	v6 =	vmul.f32 v48, v0;
	[tilespmem:s1+$0x410] =	vst v4  }
0xab: {  	v55 =	vbroadcast v42, $0x7;
	v53 =	vmul.f32 v50, v0;
	[tilespmem:s1+$0x420] =	vst v49  }
0xac: {  	v57 =	vbroadcast v42, $0xB;
	v56 =	vmul.f32 v54, v0;
	[tilespmem:s1+$0x450] =	vst v6  }
0xad: {  	v58 =	vbroadcast v42, $0x4;
	v59 =	vmul.f32 v55, v0;
	[tilespmem:s1+$0x460] =	vst v53  }
0xae: {  	v61 =	vbroadcast v42, $0xE;
	v60 =	vmul.f32 v57, v0;
	[tilespmem:s1+$0x30] =	vst v56  }
0xaf: {  	v47 =	vbroadcast v42, $0xA;
	v5 =	vmul.f32 v58, v0;
	[tilespmem:s1+$0x400] =	vst v59  }
0xb0: {  	v52 =	vbroadcast v42, $0x3;
	v63 =	vmul.f32 v61, v0;
	[tilespmem:s1+$0x440] =	vst v60  }
0xb1: {  	v51 =	vbroadcast v42, $0x0;
	v2 =	vmul.f32 v47, v0;
	[tilespmem:s1+$0x50] =	vst v5  }
0xb2: {  	v62 =	vbroadcast v42, $0xF;
	v3 =	vmul.f32 v52, v0;
	[tilespmem:s1+$0x470] =	vst v63  }
0xb3: {  	v1 =	vbroadcast v42, $0x5;
	v4 =	vmul.f32 v51, v0;
	[tilespmem:s1+$0x430] =	vst v2  }
0xb4: {  	[tilespmem:s1+$0x40] =	vst v3;
	v3 =	vmul.f32 v62, v0  }
0xb5: {  	[tilespmem:s1+$0x10] =	vst v4;
	v0 =	vmul.f32 v1, v0  }
0xb6: {  	[tilespmem:s1+$0x800] =	vst v3  }
0xb7: {  	p0 =	sne.s32 s28, s26;
	p1 =	seq.s32 s25, s12;
	[tilespmem:s1+$0x60] =	vst v0  }
0xb8: {  	p1 =	por p1, p0;
	_ =	strace $0x9000004F  }
0xb9: {  	s0 =	smul.u32 @p1 $0xC00, s0;
	_ =	strace @p1 $0x80000050  }
0xba: {  	p0 =	seq.s32 s25, $0x0;
	s2 =	rddreg [dreg:$0x6]  }
0xbb: {  	s1 =	sadd.s32 @p1 $0x7, s29;
	s0 =	sadd.s32 @p1 s2, s0;
	s2 =	simm.s32 @p1 $0x0  }
0xbc: {  	[hbm4b:s0+s2] =	stream.linear.scatter @p1 [tilespmem:s30], [sflag:s1], $0x6000, $0x200038;
	[tilespmem:$0x18000] =	vst v63  }
0xbd: {  	s1 =	sand.u32 @!p0 $0x1, s17;
	_ =	strace @p1 $0x90000050  }
0xbe: {  	s1 =	sadd.s32 @!p0 $0x7, s1;
	_ =	strace @!p0 $0x80000051  }
0xbf: {  	s0 =	simm.s32 $0x1;
	_ =	swait.ge @!p0 [sflag:s1], $0x6000  }
0xc0: {  	s0 =	simm.s32 @!p1 $0x0;
	[sflag:s1] =	ssyncset.done @!p0 $0x0  }
0xc1: {  	p1 =	sne.s32 s25, $0x0;
	s25 =	sadd.s32 $0x1, s25;
	[sflag:s1] =	ssyncadd.s32 @!p0 $0xFFFFA000  }
0xc2: {  	_ =	strace @!p0 $0x90000051;
	p0 =	sne.s32 s25, s8  }
.Ltmp1:
0xc3: {  	_ = 	snop;
	(pc) =	sbr.rel @p0 .LBB2_2-.Ltmp1, $4  }
0xc4: {  	_ = 	snop  }
0xc5: {  	s20 =	sadd.s32 s20, s31;
	s28 =	smov.u32 s26;
	s2 =	simm.s32 $0x1  }
0xc6: {  	s18 =	sadd.s32 s0, s18;
	s2 =	simm.s32 @!p1 $0x0;
	s23 =	sadd.s32 s0, s23  }
0xc7: {  	s21 =	sadd.s32 s0, s21;
	s19 =	sadd.s32 s0, s19;
	s17 =	sadd.s32 s2, s17  }
0xc8: {  	s0 =	sand.u32 $0x1, s17  }
0xc9: {  	_ =	strace $0x80000052;
	s0 =	sadd.s32 $0x7, s0  }
0xca: {  	_ =	swait.ge [sflag:s0], $0x6000  }
0xcb: {  	s1 =	rddreg [dreg:$0xb]  }
0xcc: {  	s31 =	rddreg [dreg:$0xa];
	s1 =	sadd.s32 $0x1, s1  }
0xcd: {  	p0 =	sne.s32 s1, s31  }
.Ltmp2:
0xce: {  	_ = 	snop;
	(pc) =	sbr.rel @p0 .LBB2_1-.Ltmp2, $4  }
0xcf: {  	_ = 	snop  }
0xd0: {  	[sflag:s0] =	ssyncset.done $0x0  }
0xd1: {  	[sflag:s0] =	ssyncadd.s32 $0xFFFFA000  }
0xd2: {  	_ =	strace $0x90000052  }
0xd3: {  	_ =	sfence.sel $0x180000  }
0xd4: {  	[bflag:$0x0] =	sbarrier.arrive $0xFFFF  }
0xd5: {  	_ =	strace $0x90000047  }
0xd6: {  	s0 =	stileid.u32;
	[bflag:$0x2] =	sbarrier.arrive $0xFFFF  }
0xd7: {  	p0 =	sne.s32 s0, $0x0;
	s0 =	rddreg [dreg:$0x2]  }
0xd8: {  	s0 =	sadd.s32 @!p0 $0x100000, s0  }
0xd9: {  	[sflag:s0] =	ssyncadd.tile.s32 @!p0 $0x1;
	_ =	shalt  }
.Lfunc_end2:
_tile_overlayer_lowered:
.L_overlay_start_2:
0xda: {  	(tag) =	ssettag $0x2  }
0xdb: {  	s0 =	rddreg [dreg:$0x0];
	s2 =	stileid.u32  }
0xdc: {  	s1 =	rddreg [dreg:$0x1];
	p0 =	sne.s32 s2, $0x0  }
0xdd: {  	s3 =	rddreg [dreg:$0x2];
	[bflag:$0x3] =	sbarrier.arrive $0xFFFF;
	s2 =	simm.s32 @!p0 $0x1C01  }
0xde: {  	[timem:s3], [sflag:s2] =	dma.local @!p0 [hbm:s0], s1  }
0xdf: {  	s0 =	simm.s32 @!p0 $0x1  }
0xe0: {  	_ =	swait.ge @!p0 [sflag:s0], s1  }
0xe1: {  	s1 =	ssub.s32 @!p0 $0x0, s1;
	[sflag:s0] =	ssyncset.done @!p0 $0x0  }
0xe2: {  	[sflag:s0] =	ssyncadd.s32 @!p0 s1  }
0xe3: {  	[bflag:$0x3] =	sbarrier.arrive $0xFFFF  }
0xe4: {  	_ =	shalt  }

</sc_bundles>
